<compile_context>
chip_gen: v7x
topology: tpu7x:2x2x1
jax: 0.10.2.dev20260603
libtpu: 0.0.44.dev20260713+nightly
codegen_flags: <defaults>
</compile_context>

<pallas_src>
import functools

import jax
import jax.numpy as jnp
from jax import lax
from jax.experimental import pallas as pl
from jax.experimental.pallas import tpu as pltpu
from jax.experimental.pallas import tpu_sc as plsc

IN_SIZE = 4096
D = 2048

_info = plsc.get_sparse_core_info()
NC, NS = _info.num_cores, _info.num_subcores
NW = NC * NS
B_PER_W = IN_SIZE // NW
CHUNK = 8
NCHUNKS = B_PER_W // CHUNK
NSLOT = 6
WPAIR = 2
NWRITES = NCHUNKS // WPAIR

_mesh = plsc.VectorSubcoreMesh(core_axis_name="c", subcore_axis_name="s")


@functools.partial(
    pl.kernel,
    mesh=_mesh,
    out_type=jax.ShapeDtypeStruct((IN_SIZE, D), jnp.float32),
    scratch_types=[
        pltpu.VMEM((B_PER_W,), jnp.int32),
        pltpu.VMEM((NSLOT * CHUNK, D), jnp.float32),
        [pltpu.SemaphoreType.DMA for _ in range(NSLOT)],
        [pltpu.SemaphoreType.DMA for _ in range(NSLOT // WPAIR)],
    ],
)
def _permute_sc(x_hbm, perm_hbm, out_hbm, idx_v, ring, gsems, wsems):
    wid = lax.axis_index("s") * NC + lax.axis_index("c")
    base = wid * B_PER_W
    pltpu.sync_copy(perm_hbm.at[pl.ds(base, B_PER_W)], idx_v)

    def gather(c):
        s = c % NSLOT
        return pltpu.async_copy(
            x_hbm.at[idx_v.at[pl.ds(c * CHUNK, CHUNK)]],
            ring.at[pl.ds(s * CHUNK, CHUNK)],
            gsems[s],
        )

    def write(k):
        s = (WPAIR * k) % NSLOT
        return pltpu.async_copy(
            ring.at[pl.ds(s * CHUNK, WPAIR * CHUNK)],
            out_hbm.at[pl.ds(base + k * WPAIR * CHUNK, WPAIR * CHUNK)],
            wsems[s // WPAIR],
        )

    gh = {}
    wh = {}
    for c in range(NCHUNKS):
        if c >= NSLOT and (c - NSLOT) % WPAIR == 0:
            wh[(c - NSLOT) // WPAIR].wait()
        gh[c] = gather(c)
        cw = c - 3
        if cw >= 1 and cw % WPAIR == 1:
            k = (cw - 1) // WPAIR
            gh[cw - 1].wait()
            gh[cw].wait()
            wh[k] = write(k)
    for k in range(NWRITES):
        if k not in wh:
            gh[WPAIR * k].wait()
            gh[WPAIR * k + 1].wait()
            wh[k] = write(k)
    for k in range(NWRITES - NSLOT // WPAIR, NWRITES):
        wh[k].wait()


def kernel(x, y, perm):
    out = _permute_sc(x, perm.astype(jnp.int32))
    return (out, jnp.zeros((), dtype=x.dtype))

# --- scband reference (transcript-rebuilt; emitter-appended) ---
"""Pipeline reference for scband-permute-29308856828008 (READ-ONLY COPY).

The authoritative reference and input builder live on the scoring server;
editing this copy changes nothing except your own understanding.
"""

import jax, jax.numpy as jnp
import numpy as np

IN_SIZE = 4096
D = 2048

def setup_inputs(seed: int = 0) -> dict:
    key = jax.random.key(seed)
    kx, kp = jax.random.split(key)
    x = jax.random.normal(kx, (IN_SIZE, D), dtype=jnp.float32)
    y = jnp.zeros((1,), dtype=jnp.float32)
    # Module parameter: random permutation created in __init__ (perm=None path)
    perm = jax.random.permutation(kp, jnp.arange(IN_SIZE))
    return {"x": x, "y": y, "perm": perm}

def reference(x, y, perm):
    # Faithful translation of Permute.forward: gather rows of x by perm,
    # second return value is the constant log-det contribution 0.
    idx = perm
    out = x[idx]
    return (out, jnp.zeros((), dtype=x.dtype))

if __name__ == "__main__":
    import jax
    _d = setup_inputs()
    print(jax.jit(kernel)(*tuple(_d.values())))

</pallas_src>

<mosaic_0001>
#map = affine_map<(d0, d1) -> (0, 0)>
#map1 = affine_map<(d0, d1) -> (0)>
module attributes {stable_mosaic.version = 14 : i64} {
  func.func @_permute_sc(%arg0: i32, %arg1: i32, %arg2: memref<4096x2048xf32, #tpu.memory_space<hbm>>, %arg3: memref<4096xi32, #tpu.memory_space<hbm>>, %arg4: memref<4096x2048xf32, #tpu.memory_space<hbm>>, %arg5: memref<128xi32, #tpu.memory_space<vmem>>, %arg6: memref<48x2048xf32, #tpu.memory_space<vmem>>, %arg7: memref<!tpu.dma_semaphore, #tpu.memory_space<semaphore_mem>>, %arg8: memref<!tpu.dma_semaphore, #tpu.memory_space<semaphore_mem>>, %arg9: memref<!tpu.dma_semaphore, #tpu.memory_space<semaphore_mem>>, %arg10: memref<!tpu.dma_semaphore, #tpu.memory_space<semaphore_mem>>, %arg11: memref<!tpu.dma_semaphore, #tpu.memory_space<semaphore_mem>>, %arg12: memref<!tpu.dma_semaphore, #tpu.memory_space<semaphore_mem>>, %arg13: memref<!tpu.dma_semaphore, #tpu.memory_space<semaphore_mem>>, %arg14: memref<!tpu.dma_semaphore, #tpu.memory_space<semaphore_mem>>, %arg15: memref<!tpu.dma_semaphore, #tpu.memory_space<semaphore_mem>>) attributes {dimension_semantics = [#tpu.dimension_semantics<core_parallel>, #tpu.dimension_semantics<subcore_parallel>], iteration_bounds = array<i64: 2, 16>, scalar_prefetch = 0 : i64, scratch_operands = 11 : i64, tpu.core_type = #tpu.core_type<sc_vector_subcore>, window_params = [{transform_indices = #map}, {transform_indices = #map1}, {transform_indices = #map}]} {
    %mul3A = arith.constant 2 : i32
    %mul3A_0 = arith.muli %arg1, %mul3A : i32
    %add3A = arith.addi %mul3A_0, %arg0 : i32
    %mul3A_1 = arith.constant 128 : i32
    %mul3A_2 = arith.muli %add3A, %mul3A_1 : i32
    "tpu.region"() ({
      %run_scoped3A = tpu.sem_alloc : memref<!tpu.dma_semaphore, #tpu.memory_space<semaphore_mem>>
      %dma_start3A_433 = tpu.memref_slice %arg3[%mul3A_2] : memref<4096xi32, #tpu.memory_space<hbm>> -> memref<128xi32, #tpu.memory_space<hbm>>
      %dma_start3A_434 = tpu.memref_slice %arg3[%mul3A_2] : memref<4096xi32, #tpu.memory_space<hbm>> -> memref<128xi32, #tpu.memory_space<hbm>>
      tpu.enqueue_dma source(%dma_start3A_434 : memref<128xi32, #tpu.memory_space<hbm>>) target(%arg5 : memref<128xi32, #tpu.memory_space<vmem>>) target_semaphore(%run_scoped3A : memref<!tpu.dma_semaphore, #tpu.memory_space<semaphore_mem>>)
      %dma_wait3A_435 = tpu.memref_slice %arg3[%mul3A_2] : memref<4096xi32, #tpu.memory_space<hbm>> -> memref<128xi32, #tpu.memory_space<hbm>>
      %dma_wait3A_436 = tpu.memref_slice %arg3[%mul3A_2] : memref<4096xi32, #tpu.memory_space<hbm>> -> memref<128xi32, #tpu.memory_space<hbm>>
      tpu.wait_dma2 semaphore(%run_scoped3A : memref<!tpu.dma_semaphore, #tpu.memory_space<semaphore_mem>>) src(%dma_wait3A_436 : memref<128xi32, #tpu.memory_space<hbm>>) dst(%arg5 : memref<128xi32, #tpu.memory_space<vmem>>)
      tpu.yield
    }) : () -> ()
    %dma_start3A = arith.constant 0 : i32
    %dma_start3A_3 = arith.constant 0 : i32
    %dma_start3A_4 = tpu.memref_slice %arg6[%dma_start3A, %dma_start3A_3] : memref<48x2048xf32, #tpu.memory_space<vmem>> -> memref<8x2048xf32, #tpu.memory_space<vmem>>
    %dma_start3A_5 = arith.constant 0 : i32
    %dma_start3A_6 = tpu.memref_slice %arg5[%dma_start3A_5] : memref<128xi32, #tpu.memory_space<vmem>> -> memref<8xi32, #tpu.memory_space<vmem>>
    %dma_start3A_7 = arith.constant 0 : i32
    %dma_start3A_8 = arith.constant 0 : i32
    %dma_start3A_9 = tpu.memref_slice %arg2[%dma_start3A_7, %dma_start3A_8] : memref<4096x2048xf32, #tpu.memory_space<hbm>> -> memref<4096x2048xf32, #tpu.memory_space<hbm>>
    tpu.enqueue_indirect_dma source(%dma_start3A_9 : memref<4096x2048xf32, #tpu.memory_space<hbm>>) target(%dma_start3A_4 : memref<8x2048xf32, #tpu.memory_space<vmem>>) offsets(%dma_start3A_6 : memref<8xi32, #tpu.memory_space<vmem>>) semaphore(%arg7 : memref<!tpu.dma_semaphore, #tpu.memory_space<semaphore_mem>>)
    %dma_start3A_10 = arith.constant 8 : i32
    %dma_start3A_11 = arith.constant 0 : i32
    %dma_start3A_12 = tpu.memref_slice %arg6[%dma_start3A_10, %dma_start3A_11] : memref<48x2048xf32, #tpu.memory_space<vmem>> -> memref<8x2048xf32, #tpu.memory_space<vmem>>
    %dma_start3A_13 = arith.constant 8 : i32
    %dma_start3A_14 = tpu.memref_slice %arg5[%dma_start3A_13] : memref<128xi32, #tpu.memory_space<vmem>> -> memref<8xi32, #tpu.memory_space<vmem>>
    %dma_start3A_15 = arith.constant 0 : i32
    %dma_start3A_16 = arith.constant 0 : i32
    %dma_start3A_17 = tpu.memref_slice %arg2[%dma_start3A_15, %dma_start3A_16] : memref<4096x2048xf32, #tpu.memory_space<hbm>> -> memref<4096x2048xf32, #tpu.memory_space<hbm>>
    tpu.enqueue_indirect_dma source(%dma_start3A_17 : memref<4096x2048xf32, #tpu.memory_space<hbm>>) target(%dma_start3A_12 : memref<8x2048xf32, #tpu.memory_space<vmem>>) offsets(%dma_start3A_14 : memref<8xi32, #tpu.memory_space<vmem>>) semaphore(%arg8 : memref<!tpu.dma_semaphore, #tpu.memory_space<semaphore_mem>>)
    %dma_start3A_18 = arith.constant 16 : i32
    %dma_start3A_19 = arith.constant 0 : i32
    %dma_start3A_20 = tpu.memref_slice %arg6[%dma_start3A_18, %dma_start3A_19] : memref<48x2048xf32, #tpu.memory_space<vmem>> -> memref<8x2048xf32, #tpu.memory_space<vmem>>
    %dma_start3A_21 = arith.constant 16 : i32
    %dma_start3A_22 = tpu.memref_slice %arg5[%dma_start3A_21] : memref<128xi32, #tpu.memory_space<vmem>> -> memref<8xi32, #tpu.memory_space<vmem>>
    %dma_start3A_23 = arith.constant 0 : i32
    %dma_start3A_24 = arith.constant 0 : i32
    %dma_start3A_25 = tpu.memref_slice %arg2[%dma_start3A_23, %dma_start3A_24] : memref<4096x2048xf32, #tpu.memory_space<hbm>> -> memref<4096x2048xf32, #tpu.memory_space<hbm>>
    tpu.enqueue_indirect_dma source(%dma_start3A_25 : memref<4096x2048xf32, #tpu.memory_space<hbm>>) target(%dma_start3A_20 : memref<8x2048xf32, #tpu.memory_space<vmem>>) offsets(%dma_start3A_22 : memref<8xi32, #tpu.memory_space<vmem>>) semaphore(%arg9 : memref<!tpu.dma_semaphore, #tpu.memory_space<semaphore_mem>>)
    %dma_start3A_26 = arith.constant 24 : i32
    %dma_start3A_27 = arith.constant 0 : i32
    %dma_start3A_28 = tpu.memref_slice %arg6[%dma_start3A_26, %dma_start3A_27] : memref<48x2048xf32, #tpu.memory_space<vmem>> -> memref<8x2048xf32, #tpu.memory_space<vmem>>
    %dma_start3A_29 = arith.constant 24 : i32
    %dma_start3A_30 = tpu.memref_slice %arg5[%dma_start3A_29] : memref<128xi32, #tpu.memory_space<vmem>> -> memref<8xi32, #tpu.memory_space<vmem>>
    %dma_start3A_31 = arith.constant 0 : i32
    %dma_start3A_32 = arith.constant 0 : i32
    %dma_start3A_33 = tpu.memref_slice %arg2[%dma_start3A_31, %dma_start3A_32] : memref<4096x2048xf32, #tpu.memory_space<hbm>> -> memref<4096x2048xf32, #tpu.memory_space<hbm>>
    tpu.enqueue_indirect_dma source(%dma_start3A_33 : memref<4096x2048xf32, #tpu.memory_space<hbm>>) target(%dma_start3A_28 : memref<8x2048xf32, #tpu.memory_space<vmem>>) offsets(%dma_start3A_30 : memref<8xi32, #tpu.memory_space<vmem>>) semaphore(%arg10 : memref<!tpu.dma_semaphore, #tpu.memory_space<semaphore_mem>>)
    %dma_start3A_34 = arith.constant 32 : i32
    %dma_start3A_35 = arith.constant 0 : i32
    %dma_start3A_36 = tpu.memref_slice %arg6[%dma_start3A_34, %dma_start3A_35] : memref<48x2048xf32, #tpu.memory_space<vmem>> -> memref<8x2048xf32, #tpu.memory_space<vmem>>
    %dma_start3A_37 = arith.constant 32 : i32
    %dma_start3A_38 = tpu.memref_slice %arg5[%dma_start3A_37] : memref<128xi32, #tpu.memory_space<vmem>> -> memref<8xi32, #tpu.memory_space<vmem>>
    %dma_start3A_39 = arith.constant 0 : i32
    %dma_start3A_40 = arith.constant 0 : i32
    %dma_start3A_41 = tpu.memref_slice %arg2[%dma_start3A_39, %dma_start3A_40] : memref<4096x2048xf32, #tpu.memory_space<hbm>> -> memref<4096x2048xf32, #tpu.memory_space<hbm>>
    tpu.enqueue_indirect_dma source(%dma_start3A_41 : memref<4096x2048xf32, #tpu.memory_space<hbm>>) target(%dma_start3A_36 : memref<8x2048xf32, #tpu.memory_space<vmem>>) offsets(%dma_start3A_38 : memref<8xi32, #tpu.memory_space<vmem>>) semaphore(%arg11 : memref<!tpu.dma_semaphore, #tpu.memory_space<semaphore_mem>>)
    %dma_wait3A = arith.constant 0 : i32
    %dma_wait3A_42 = arith.constant 0 : i32
    %dma_wait3A_43 = tpu.memref_slice %arg6[%dma_wait3A, %dma_wait3A_42] : memref<48x2048xf32, #tpu.memory_space<vmem>> -> memref<8x2048xf32, #tpu.memory_space<vmem>>
    %dma_wait3A_44 = arith.constant 0 : i32
    %dma_wait3A_45 = tpu.memref_slice %arg5[%dma_wait3A_44] : memref<128xi32, #tpu.memory_space<vmem>> -> memref<8xi32, #tpu.memory_space<vmem>>
    %dma_wait3A_46 = arith.constant 0 : i32
    %dma_wait3A_47 = arith.constant 0 : i32
    %dma_wait3A_48 = tpu.memref_slice %arg2[%dma_wait3A_46, %dma_wait3A_47] : memref<4096x2048xf32, #tpu.memory_space<hbm>> -> memref<4096x2048xf32, #tpu.memory_space<hbm>>
    tpu.wait_indirect_dma semaphore(%arg7 : memref<!tpu.dma_semaphore, #tpu.memory_space<semaphore_mem>>) src(%dma_wait3A_48 : memref<4096x2048xf32, #tpu.memory_space<hbm>>) dst(%dma_wait3A_43 : memref<8x2048xf32, #tpu.memory_space<vmem>>)
    %dma_wait3A_49 = arith.constant 8 : i32
    %dma_wait3A_50 = arith.constant 0 : i32
    %dma_wait3A_51 = tpu.memref_slice %arg6[%dma_wait3A_49, %dma_wait3A_50] : memref<48x2048xf32, #tpu.memory_space<vmem>> -> memref<8x2048xf32, #tpu.memory_space<vmem>>
    %dma_wait3A_52 = arith.constant 8 : i32
    %dma_wait3A_53 = tpu.memref_slice %arg5[%dma_wait3A_52] : memref<128xi32, #tpu.memory_space<vmem>> -> memref<8xi32, #tpu.memory_space<vmem>>
    %dma_wait3A_54 = arith.constant 0 : i32
    %dma_wait3A_55 = arith.constant 0 : i32
    %dma_wait3A_56 = tpu.memref_slice %arg2[%dma_wait3A_54, %dma_wait3A_55] : memref<4096x2048xf32, #tpu.memory_space<hbm>> -> memref<4096x2048xf32, #tpu.memory_space<hbm>>
    tpu.wait_indirect_dma semaphore(%arg8 : memref<!tpu.dma_semaphore, #tpu.memory_space<semaphore_mem>>) src(%dma_wait3A_56 : memref<4096x2048xf32, #tpu.memory_space<hbm>>) dst(%dma_wait3A_51 : memref<8x2048xf32, #tpu.memory_space<vmem>>)
    %add3A_57 = arith.constant 0 : i32
    %add3A_58 = arith.addi %mul3A_2, %add3A_57 : i32
    %dma_start3A_59 = arith.constant 0 : i32
    %dma_start3A_60 = arith.constant 0 : i32
    %dma_start3A_61 = tpu.memref_slice %arg6[%dma_start3A_59, %dma_start3A_60] : memref<48x2048xf32, #tpu.memory_space<vmem>> -> memref<16x2048xf32, #tpu.memory_space<vmem>>
    %dma_start3A_62 = arith.constant 0 : i32
    %dma_start3A_63 = tpu.memref_slice %arg4[%add3A_58, %dma_start3A_62] : memref<4096x2048xf32, #tpu.memory_space<hbm>> -> memref<16x2048xf32, #tpu.memory_space<hbm>>
    %dma_start3A_64 = arith.constant 0 : i32
    %dma_start3A_65 = tpu.memref_slice %arg4[%add3A_58, %dma_start3A_64] : memref<4096x2048xf32, #tpu.memory_space<hbm>> -> memref<16x2048xf32, #tpu.memory_space<hbm>>
    %dma_start3A_66 = arith.constant 0 : i32
    %dma_start3A_67 = arith.constant 0 : i32
    %dma_start3A_68 = tpu.memref_slice %arg6[%dma_start3A_66, %dma_start3A_67] : memref<48x2048xf32, #tpu.memory_space<vmem>> -> memref<16x2048xf32, #tpu.memory_space<vmem>>
    tpu.enqueue_dma source(%dma_start3A_68 : memref<16x2048xf32, #tpu.memory_space<vmem>>) target(%dma_start3A_65 : memref<16x2048xf32, #tpu.memory_space<hbm>>) target_semaphore(%arg13 : memref<!tpu.dma_semaphore, #tpu.memory_space<semaphore_mem>>)
    %dma_start3A_69 = arith.constant 40 : i32
    %dma_start3A_70 = arith.constant 0 : i32
    %dma_start3A_71 = tpu.memref_slice %arg6[%dma_start3A_69, %dma_start3A_70] : memref<48x2048xf32, #tpu.memory_space<vmem>> -> memref<8x2048xf32, #tpu.memory_space<vmem>>
    %dma_start3A_72 = arith.constant 40 : i32
    %dma_start3A_73 = tpu.memref_slice %arg5[%dma_start3A_72] : memref<128xi32, #tpu.memory_space<vmem>> -> memref<8xi32, #tpu.memory_space<vmem>>
    %dma_start3A_74 = arith.constant 0 : i32
    %dma_start3A_75 = arith.constant 0 : i32
    %dma_start3A_76 = tpu.memref_slice %arg2[%dma_start3A_74, %dma_start3A_75] : memref<4096x2048xf32, #tpu.memory_space<hbm>> -> memref<4096x2048xf32, #tpu.memory_space<hbm>>
    tpu.enqueue_indirect_dma source(%dma_start3A_76 : memref<4096x2048xf32, #tpu.memory_space<hbm>>) target(%dma_start3A_71 : memref<8x2048xf32, #tpu.memory_space<vmem>>) offsets(%dma_start3A_73 : memref<8xi32, #tpu.memory_space<vmem>>) semaphore(%arg12 : memref<!tpu.dma_semaphore, #tpu.memory_space<semaphore_mem>>)
    %dma_wait3A_77 = arith.constant 0 : i32
    %dma_wait3A_78 = arith.constant 0 : i32
    %dma_wait3A_79 = tpu.memref_slice %arg6[%dma_wait3A_77, %dma_wait3A_78] : memref<48x2048xf32, #tpu.memory_space<vmem>> -> memref<16x2048xf32, #tpu.memory_space<vmem>>
    %dma_wait3A_80 = arith.constant 0 : i32
    %dma_wait3A_81 = tpu.memref_slice %arg4[%add3A_58, %dma_wait3A_80] : memref<4096x2048xf32, #tpu.memory_space<hbm>> -> memref<16x2048xf32, #tpu.memory_space<hbm>>
    %dma_wait3A_82 = arith.constant 0 : i32
    %dma_wait3A_83 = tpu.memref_slice %arg4[%add3A_58, %dma_wait3A_82] : memref<4096x2048xf32, #tpu.memory_space<hbm>> -> memref<16x2048xf32, #tpu.memory_space<hbm>>
    %dma_wait3A_84 = arith.constant 0 : i32
    %dma_wait3A_85 = arith.constant 0 : i32
    %dma_wait3A_86 = tpu.memref_slice %arg6[%dma_wait3A_84, %dma_wait3A_85] : memref<48x2048xf32, #tpu.memory_space<vmem>> -> memref<16x2048xf32, #tpu.memory_space<vmem>>
    tpu.wait_dma2 semaphore(%arg13 : memref<!tpu.dma_semaphore, #tpu.memory_space<semaphore_mem>>) src(%dma_wait3A_86 : memref<16x2048xf32, #tpu.memory_space<vmem>>) dst(%dma_wait3A_83 : memref<16x2048xf32, #tpu.memory_space<hbm>>)
    %dma_start3A_87 = arith.constant 0 : i32
    %dma_start3A_88 = arith.constant 0 : i32
    %dma_start3A_89 = tpu.memref_slice %arg6[%dma_start3A_87, %dma_start3A_88] : memref<48x2048xf32, #tpu.memory_space<vmem>> -> memref<8x2048xf32, #tpu.memory_space<vmem>>
    %dma_start3A_90 = arith.constant 48 : i32
    %dma_start3A_91 = tpu.memref_slice %arg5[%dma_start3A_90] : memref<128xi32, #tpu.memory_space<vmem>> -> memref<8xi32, #tpu.memory_space<vmem>>
    %dma_start3A_92 = arith.constant 0 : i32
    %dma_start3A_93 = arith.constant 0 : i32
    %dma_start3A_94 = tpu.memref_slice %arg2[%dma_start3A_92, %dma_start3A_93] : memref<4096x2048xf32, #tpu.memory_space<hbm>> -> memref<4096x2048xf32, #tpu.memory_space<hbm>>
    tpu.enqueue_indirect_dma source(%dma_start3A_94 : memref<4096x2048xf32, #tpu.memory_space<hbm>>) target(%dma_start3A_89 : memref<8x2048xf32, #tpu.memory_space<vmem>>) offsets(%dma_start3A_91 : memref<8xi32, #tpu.memory_space<vmem>>) semaphore(%arg7 : memref<!tpu.dma_semaphore, #tpu.memory_space<semaphore_mem>>)
    %dma_wait3A_95 = arith.constant 16 : i32
    %dma_wait3A_96 = arith.constant 0 : i32
    %dma_wait3A_97 = tpu.memref_slice %arg6[%dma_wait3A_95, %dma_wait3A_96] : memref<48x2048xf32, #tpu.memory_space<vmem>> -> memref<8x2048xf32, #tpu.memory_space<vmem>>
    %dma_wait3A_98 = arith.constant 16 : i32
    %dma_wait3A_99 = tpu.memref_slice %arg5[%dma_wait3A_98] : memref<128xi32, #tpu.memory_space<vmem>> -> memref<8xi32, #tpu.memory_space<vmem>>
    %dma_wait3A_100 = arith.constant 0 : i32
    %dma_wait3A_101 = arith.constant 0 : i32
    %dma_wait3A_102 = tpu.memref_slice %arg2[%dma_wait3A_100, %dma_wait3A_101] : memref<4096x2048xf32, #tpu.memory_space<hbm>> -> memref<4096x2048xf32, #tpu.memory_space<hbm>>
    tpu.wait_indirect_dma semaphore(%arg9 : memref<!tpu.dma_semaphore, #tpu.memory_space<semaphore_mem>>) src(%dma_wait3A_102 : memref<4096x2048xf32, #tpu.memory_space<hbm>>) dst(%dma_wait3A_97 : memref<8x2048xf32, #tpu.memory_space<vmem>>)
    %dma_wait3A_103 = arith.constant 24 : i32
    %dma_wait3A_104 = arith.constant 0 : i32
    %dma_wait3A_105 = tpu.memref_slice %arg6[%dma_wait3A_103, %dma_wait3A_104] : memref<48x2048xf32, #tpu.memory_space<vmem>> -> memref<8x2048xf32, #tpu.memory_space<vmem>>
    %dma_wait3A_106 = arith.constant 24 : i32
    %dma_wait3A_107 = tpu.memref_slice %arg5[%dma_wait3A_106] : memref<128xi32, #tpu.memory_space<vmem>> -> memref<8xi32, #tpu.memory_space<vmem>>
    %dma_wait3A_108 = arith.constant 0 : i32
    %dma_wait3A_109 = arith.constant 0 : i32
    %dma_wait3A_110 = tpu.memref_slice %arg2[%dma_wait3A_108, %dma_wait3A_109] : memref<4096x2048xf32, #tpu.memory_space<hbm>> -> memref<4096x2048xf32, #tpu.memory_space<hbm>>
    tpu.wait_indirect_dma semaphore(%arg10 : memref<!tpu.dma_semaphore, #tpu.memory_space<semaphore_mem>>) src(%dma_wait3A_110 : memref<4096x2048xf32, #tpu.memory_space<hbm>>) dst(%dma_wait3A_105 : memref<8x2048xf32, #tpu.memory_space<vmem>>)
    %add3A_111 = arith.constant 16 : i32
    %add3A_112 = arith.addi %mul3A_2, %add3A_111 : i32
    %dma_start3A_113 = arith.constant 16 : i32
    %dma_start3A_114 = arith.constant 0 : i32
    %dma_start3A_115 = tpu.memref_slice %arg6[%dma_start3A_113, %dma_start3A_114] : memref<48x2048xf32, #tpu.memory_space<vmem>> -> memref<16x2048xf32, #tpu.memory_space<vmem>>
    %dma_start3A_116 = arith.constant 0 : i32
    %dma_start3A_117 = tpu.memref_slice %arg4[%add3A_112, %dma_start3A_116] : memref<4096x2048xf32, #tpu.memory_space<hbm>> -> memref<16x2048xf32, #tpu.memory_space<hbm>>
    %dma_start3A_118 = arith.constant 0 : i32
    %dma_start3A_119 = tpu.memref_slice %arg4[%add3A_112, %dma_start3A_118] : memref<4096x2048xf32, #tpu.memory_space<hbm>> -> memref<16x2048xf32, #tpu.memory_space<hbm>>
    %dma_start3A_120 = arith.constant 16 : i32
    %dma_start3A_121 = arith.constant 0 : i32
    %dma_start3A_122 = tpu.memref_slice %arg6[%dma_start3A_120, %dma_start3A_121] : memref<48x2048xf32, #tpu.memory_space<vmem>> -> memref<16x2048xf32, #tpu.memory_space<vmem>>
    tpu.enqueue_dma source(%dma_start3A_122 : memref<16x2048xf32, #tpu.memory_space<vmem>>) target(%dma_start3A_119 : memref<16x2048xf32, #tpu.memory_space<hbm>>) target_semaphore(%arg14 : memref<!tpu.dma_semaphore, #tpu.memory_space<semaphore_mem>>)
    %dma_start3A_123 = arith.constant 8 : i32
    %dma_start3A_124 = arith.constant 0 : i32
    %dma_start3A_125 = tpu.memref_slice %arg6[%dma_start3A_123, %dma_start3A_124] : memref<48x2048xf32, #tpu.memory_space<vmem>> -> memref<8x2048xf32, #tpu.memory_space<vmem>>
    %dma_start3A_126 = arith.constant 56 : i32
    %dma_start3A_127 = tpu.memref_slice %arg5[%dma_start3A_126] : memref<128xi32, #tpu.memory_space<vmem>> -> memref<8xi32, #tpu.memory_space<vmem>>
    %dma_start3A_128 = arith.constant 0 : i32
    %dma_start3A_129 = arith.constant 0 : i32
    %dma_start3A_130 = tpu.memref_slice %arg2[%dma_start3A_128, %dma_start3A_129] : memref<4096x2048xf32, #tpu.memory_space<hbm>> -> memref<4096x2048xf32, #tpu.memory_space<hbm>>
    tpu.enqueue_indirect_dma source(%dma_start3A_130 : memref<4096x2048xf32, #tpu.memory_space<hbm>>) target(%dma_start3A_125 : memref<8x2048xf32, #tpu.memory_space<vmem>>) offsets(%dma_start3A_127 : memref<8xi32, #tpu.memory_space<vmem>>) semaphore(%arg8 : memref<!tpu.dma_semaphore, #tpu.memory_space<semaphore_mem>>)
    %dma_wait3A_131 = arith.constant 16 : i32
    %dma_wait3A_132 = arith.constant 0 : i32
    %dma_wait3A_133 = tpu.memref_slice %arg6[%dma_wait3A_131, %dma_wait3A_132] : memref<48x2048xf32, #tpu.memory_space<vmem>> -> memref<16x2048xf32, #tpu.memory_space<vmem>>
    %dma_wait3A_134 = arith.constant 0 : i32
    %dma_wait3A_135 = tpu.memref_slice %arg4[%add3A_112, %dma_wait3A_134] : memref<4096x2048xf32, #tpu.memory_space<hbm>> -> memref<16x2048xf32, #tpu.memory_space<hbm>>
    %dma_wait3A_136 = arith.constant 0 : i32
    %dma_wait3A_137 = tpu.memref_slice %arg4[%add3A_112, %dma_wait3A_136] : memref<4096x2048xf32, #tpu.memory_space<hbm>> -> memref<16x2048xf32, #tpu.memory_space<hbm>>
    %dma_wait3A_138 = arith.constant 16 : i32
    %dma_wait3A_139 = arith.constant 0 : i32
    %dma_wait3A_140 = tpu.memref_slice %arg6[%dma_wait3A_138, %dma_wait3A_139] : memref<48x2048xf32, #tpu.memory_space<vmem>> -> memref<16x2048xf32, #tpu.memory_space<vmem>>
    tpu.wait_dma2 semaphore(%arg14 : memref<!tpu.dma_semaphore, #tpu.memory_space<semaphore_mem>>) src(%dma_wait3A_140 : memref<16x2048xf32, #tpu.memory_space<vmem>>) dst(%dma_wait3A_137 : memref<16x2048xf32, #tpu.memory_space<hbm>>)
    %dma_start3A_141 = arith.constant 16 : i32
    %dma_start3A_142 = arith.constant 0 : i32
    %dma_start3A_143 = tpu.memref_slice %arg6[%dma_start3A_141, %dma_start3A_142] : memref<48x2048xf32, #tpu.memory_space<vmem>> -> memref<8x2048xf32, #tpu.memory_space<vmem>>
    %dma_start3A_144 = arith.constant 64 : i32
    %dma_start3A_145 = tpu.memref_slice %arg5[%dma_start3A_144] : memref<128xi32, #tpu.memory_space<vmem>> -> memref<8xi32, #tpu.memory_space<vmem>>
    %dma_start3A_146 = arith.constant 0 : i32
    %dma_start3A_147 = arith.constant 0 : i32
    %dma_start3A_148 = tpu.memref_slice %arg2[%dma_start3A_146, %dma_start3A_147] : memref<4096x2048xf32, #tpu.memory_space<hbm>> -> memref<4096x2048xf32, #tpu.memory_space<hbm>>
    tpu.enqueue_indirect_dma source(%dma_start3A_148 : memref<4096x2048xf32, #tpu.memory_space<hbm>>) target(%dma_start3A_143 : memref<8x2048xf32, #tpu.memory_space<vmem>>) offsets(%dma_start3A_145 : memref<8xi32, #tpu.memory_space<vmem>>) semaphore(%arg9 : memref<!tpu.dma_semaphore, #tpu.memory_space<semaphore_mem>>)
    %dma_wait3A_149 = arith.constant 32 : i32
    %dma_wait3A_150 = arith.constant 0 : i32
    %dma_wait3A_151 = tpu.memref_slice %arg6[%dma_wait3A_149, %dma_wait3A_150] : memref<48x2048xf32, #tpu.memory_space<vmem>> -> memref<8x2048xf32, #tpu.memory_space<vmem>>
    %dma_wait3A_152 = arith.constant 32 : i32
    %dma_wait3A_153 = tpu.memref_slice %arg5[%dma_wait3A_152] : memref<128xi32, #tpu.memory_space<vmem>> -> memref<8xi32, #tpu.memory_space<vmem>>
    %dma_wait3A_154 = arith.constant 0 : i32
    %dma_wait3A_155 = arith.constant 0 : i32
    %dma_wait3A_156 = tpu.memref_slice %arg2[%dma_wait3A_154, %dma_wait3A_155] : memref<4096x2048xf32, #tpu.memory_space<hbm>> -> memref<4096x2048xf32, #tpu.memory_space<hbm>>
    tpu.wait_indirect_dma semaphore(%arg11 : memref<!tpu.dma_semaphore, #tpu.memory_space<semaphore_mem>>) src(%dma_wait3A_156 : memref<4096x2048xf32, #tpu.memory_space<hbm>>) dst(%dma_wait3A_151 : memref<8x2048xf32, #tpu.memory_space<vmem>>)
    %dma_wait3A_157 = arith.constant 40 : i32
    %dma_wait3A_158 = arith.constant 0 : i32
    %dma_wait3A_159 = tpu.memref_slice %arg6[%dma_wait3A_157, %dma_wait3A_158] : memref<48x2048xf32, #tpu.memory_space<vmem>> -> memref<8x2048xf32, #tpu.memory_space<vmem>>
    %dma_wait3A_160 = arith.constant 40 : i32
    %dma_wait3A_161 = tpu.memref_slice %arg5[%dma_wait3A_160] : memref<128xi32, #tpu.memory_space<vmem>> -> memref<8xi32, #tpu.memory_space<vmem>>
    %dma_wait3A_162 = arith.constant 0 : i32
    %dma_wait3A_163 = arith.constant 0 : i32
    %dma_wait3A_164 = tpu.memref_slice %arg2[%dma_wait3A_162, %dma_wait3A_163] : memref<4096x2048xf32, #tpu.memory_space<hbm>> -> memref<4096x2048xf32, #tpu.memory_space<hbm>>
    tpu.wait_indirect_dma semaphore(%arg12 : memref<!tpu.dma_semaphore, #tpu.memory_space<semaphore_mem>>) src(%dma_wait3A_164 : memref<4096x2048xf32, #tpu.memory_space<hbm>>) dst(%dma_wait3A_159 : memref<8x2048xf32, #tpu.memory_space<vmem>>)
    %add3A_165 = arith.constant 32 : i32
    %add3A_166 = arith.addi %mul3A_2, %add3A_165 : i32
    %dma_start3A_167 = arith.constant 32 : i32
    %dma_start3A_168 = arith.constant 0 : i32
    %dma_start3A_169 = tpu.memref_slice %arg6[%dma_start3A_167, %dma_start3A_168] : memref<48x2048xf32, #tpu.memory_space<vmem>> -> memref<16x2048xf32, #tpu.memory_space<vmem>>
    %dma_start3A_170 = arith.constant 0 : i32
    %dma_start3A_171 = tpu.memref_slice %arg4[%add3A_166, %dma_start3A_170] : memref<4096x2048xf32, #tpu.memory_space<hbm>> -> memref<16x2048xf32, #tpu.memory_space<hbm>>
    %dma_start3A_172 = arith.constant 0 : i32
    %dma_start3A_173 = tpu.memref_slice %arg4[%add3A_166, %dma_start3A_172] : memref<4096x2048xf32, #tpu.memory_space<hbm>> -> memref<16x2048xf32, #tpu.memory_space<hbm>>
    %dma_start3A_174 = arith.constant 32 : i32
    %dma_start3A_175 = arith.constant 0 : i32
    %dma_start3A_176 = tpu.memref_slice %arg6[%dma_start3A_174, %dma_start3A_175] : memref<48x2048xf32, #tpu.memory_space<vmem>> -> memref<16x2048xf32, #tpu.memory_space<vmem>>
    tpu.enqueue_dma source(%dma_start3A_176 : memref<16x2048xf32, #tpu.memory_space<vmem>>) target(%dma_start3A_173 : memref<16x2048xf32, #tpu.memory_space<hbm>>) target_semaphore(%arg15 : memref<!tpu.dma_semaphore, #tpu.memory_space<semaphore_mem>>)
    %dma_start3A_177 = arith.constant 24 : i32
    %dma_start3A_178 = arith.constant 0 : i32
    %dma_start3A_179 = tpu.memref_slice %arg6[%dma_start3A_177, %dma_start3A_178] : memref<48x2048xf32, #tpu.memory_space<vmem>> -> memref<8x2048xf32, #tpu.memory_space<vmem>>
    %dma_start3A_180 = arith.constant 72 : i32
    %dma_start3A_181 = tpu.memref_slice %arg5[%dma_start3A_180] : memref<128xi32, #tpu.memory_space<vmem>> -> memref<8xi32, #tpu.memory_space<vmem>>
    %dma_start3A_182 = arith.constant 0 : i32
    %dma_start3A_183 = arith.constant 0 : i32
    %dma_start3A_184 = tpu.memref_slice %arg2[%dma_start3A_182, %dma_start3A_183] : memref<4096x2048xf32, #tpu.memory_space<hbm>> -> memref<4096x2048xf32, #tpu.memory_space<hbm>>
    tpu.enqueue_indirect_dma source(%dma_start3A_184 : memref<4096x2048xf32, #tpu.memory_space<hbm>>) target(%dma_start3A_179 : memref<8x2048xf32, #tpu.memory_space<vmem>>) offsets(%dma_start3A_181 : memref<8xi32, #tpu.memory_space<vmem>>) semaphore(%arg10 : memref<!tpu.dma_semaphore, #tpu.memory_space<semaphore_mem>>)
    %dma_wait3A_185 = arith.constant 32 : i32
    %dma_wait3A_186 = arith.constant 0 : i32
    %dma_wait3A_187 = tpu.memref_slice %arg6[%dma_wait3A_185, %dma_wait3A_186] : memref<48x2048xf32, #tpu.memory_space<vmem>> -> memref<16x2048xf32, #tpu.memory_space<vmem>>
    %dma_wait3A_188 = arith.constant 0 : i32
    %dma_wait3A_189 = tpu.memref_slice %arg4[%add3A_166, %dma_wait3A_188] : memref<4096x2048xf32, #tpu.memory_space<hbm>> -> memref<16x2048xf32, #tpu.memory_space<hbm>>
    %dma_wait3A_190 = arith.constant 0 : i32
    %dma_wait3A_191 = tpu.memref_slice %arg4[%add3A_166, %dma_wait3A_190] : memref<4096x2048xf32, #tpu.memory_space<hbm>> -> memref<16x2048xf32, #tpu.memory_space<hbm>>
    %dma_wait3A_192 = arith.constant 32 : i32
    %dma_wait3A_193 = arith.constant 0 : i32
    %dma_wait3A_194 = tpu.memref_slice %arg6[%dma_wait3A_192, %dma_wait3A_193] : memref<48x2048xf32, #tpu.memory_space<vmem>> -> memref<16x2048xf32, #tpu.memory_space<vmem>>
    tpu.wait_dma2 semaphore(%arg15 : memref<!tpu.dma_semaphore, #tpu.memory_space<semaphore_mem>>) src(%dma_wait3A_194 : memref<16x2048xf32, #tpu.memory_space<vmem>>) dst(%dma_wait3A_191 : memref<16x2048xf32, #tpu.memory_space<hbm>>)
    %dma_start3A_195 = arith.constant 32 : i32
    %dma_start3A_196 = arith.constant 0 : i32
    %dma_start3A_197 = tpu.memref_slice %arg6[%dma_start3A_195, %dma_start3A_196] : memref<48x2048xf32, #tpu.memory_space<vmem>> -> memref<8x2048xf32, #tpu.memory_space<vmem>>
    %dma_start3A_198 = arith.constant 80 : i32
    %dma_start3A_199 = tpu.memref_slice %arg5[%dma_start3A_198] : memref<128xi32, #tpu.memory_space<vmem>> -> memref<8xi32, #tpu.memory_space<vmem>>
    %dma_start3A_200 = arith.constant 0 : i32
    %dma_start3A_201 = arith.constant 0 : i32
    %dma_start3A_202 = tpu.memref_slice %arg2[%dma_start3A_200, %dma_start3A_201] : memref<4096x2048xf32, #tpu.memory_space<hbm>> -> memref<4096x2048xf32, #tpu.memory_space<hbm>>
    tpu.enqueue_indirect_dma source(%dma_start3A_202 : memref<4096x2048xf32, #tpu.memory_space<hbm>>) target(%dma_start3A_197 : memref<8x2048xf32, #tpu.memory_space<vmem>>) offsets(%dma_start3A_199 : memref<8xi32, #tpu.memory_space<vmem>>) semaphore(%arg11 : memref<!tpu.dma_semaphore, #tpu.memory_space<semaphore_mem>>)
    %dma_wait3A_203 = arith.constant 0 : i32
    %dma_wait3A_204 = arith.constant 0 : i32
    %dma_wait3A_205 = tpu.memref_slice %arg6[%dma_wait3A_203, %dma_wait3A_204] : memref<48x2048xf32, #tpu.memory_space<vmem>> -> memref<8x2048xf32, #tpu.memory_space<vmem>>
    %dma_wait3A_206 = arith.constant 48 : i32
    %dma_wait3A_207 = tpu.memref_slice %arg5[%dma_wait3A_206] : memref<128xi32, #tpu.memory_space<vmem>> -> memref<8xi32, #tpu.memory_space<vmem>>
    %dma_wait3A_208 = arith.constant 0 : i32
    %dma_wait3A_209 = arith.constant 0 : i32
    %dma_wait3A_210 = tpu.memref_slice %arg2[%dma_wait3A_208, %dma_wait3A_209] : memref<4096x2048xf32, #tpu.memory_space<hbm>> -> memref<4096x2048xf32, #tpu.memory_space<hbm>>
    tpu.wait_indirect_dma semaphore(%arg7 : memref<!tpu.dma_semaphore, #tpu.memory_space<semaphore_mem>>) src(%dma_wait3A_210 : memref<4096x2048xf32, #tpu.memory_space<hbm>>) dst(%dma_wait3A_205 : memref<8x2048xf32, #tpu.memory_space<vmem>>)
    %dma_wait3A_211 = arith.constant 8 : i32
    %dma_wait3A_212 = arith.constant 0 : i32
    %dma_wait3A_213 = tpu.memref_slice %arg6[%dma_wait3A_211, %dma_wait3A_212] : memref<48x2048xf32, #tpu.memory_space<vmem>> -> memref<8x2048xf32, #tpu.memory_space<vmem>>
    %dma_wait3A_214 = arith.constant 56 : i32
    %dma_wait3A_215 = tpu.memref_slice %arg5[%dma_wait3A_214] : memref<128xi32, #tpu.memory_space<vmem>> -> memref<8xi32, #tpu.memory_space<vmem>>
    %dma_wait3A_216 = arith.constant 0 : i32
    %dma_wait3A_217 = arith.constant 0 : i32
    %dma_wait3A_218 = tpu.memref_slice %arg2[%dma_wait3A_216, %dma_wait3A_217] : memref<4096x2048xf32, #tpu.memory_space<hbm>> -> memref<4096x2048xf32, #tpu.memory_space<hbm>>
    tpu.wait_indirect_dma semaphore(%arg8 : memref<!tpu.dma_semaphore, #tpu.memory_space<semaphore_mem>>) src(%dma_wait3A_218 : memref<4096x2048xf32, #tpu.memory_space<hbm>>) dst(%dma_wait3A_213 : memref<8x2048xf32, #tpu.memory_space<vmem>>)
    %add3A_219 = arith.constant 48 : i32
    %add3A_220 = arith.addi %mul3A_2, %add3A_219 : i32
    %dma_start3A_221 = arith.constant 0 : i32
    %dma_start3A_222 = arith.constant 0 : i32
    %dma_start3A_223 = tpu.memref_slice %arg6[%dma_start3A_221, %dma_start3A_222] : memref<48x2048xf32, #tpu.memory_space<vmem>> -> memref<16x2048xf32, #tpu.memory_space<vmem>>
    %dma_start3A_224 = arith.constant 0 : i32
    %dma_start3A_225 = tpu.memref_slice %arg4[%add3A_220, %dma_start3A_224] : memref<4096x2048xf32, #tpu.memory_space<hbm>> -> memref<16x2048xf32, #tpu.memory_space<hbm>>
    %dma_start3A_226 = arith.constant 0 : i32
    %dma_start3A_227 = tpu.memref_slice %arg4[%add3A_220, %dma_start3A_226] : memref<4096x2048xf32, #tpu.memory_space<hbm>> -> memref<16x2048xf32, #tpu.memory_space<hbm>>
    %dma_start3A_228 = arith.constant 0 : i32
    %dma_start3A_229 = arith.constant 0 : i32
    %dma_start3A_230 = tpu.memref_slice %arg6[%dma_start3A_228, %dma_start3A_229] : memref<48x2048xf32, #tpu.memory_space<vmem>> -> memref<16x2048xf32, #tpu.memory_space<vmem>>
    tpu.enqueue_dma source(%dma_start3A_230 : memref<16x2048xf32, #tpu.memory_space<vmem>>) target(%dma_start3A_227 : memref<16x2048xf32, #tpu.memory_space<hbm>>) target_semaphore(%arg13 : memref<!tpu.dma_semaphore, #tpu.memory_space<semaphore_mem>>)
    %dma_start3A_231 = arith.constant 40 : i32
    %dma_start3A_232 = arith.constant 0 : i32
    %dma_start3A_233 = tpu.memref_slice %arg6[%dma_start3A_231, %dma_start3A_232] : memref<48x2048xf32, #tpu.memory_space<vmem>> -> memref<8x2048xf32, #tpu.memory_space<vmem>>
    %dma_start3A_234 = arith.constant 88 : i32
    %dma_start3A_235 = tpu.memref_slice %arg5[%dma_start3A_234] : memref<128xi32, #tpu.memory_space<vmem>> -> memref<8xi32, #tpu.memory_space<vmem>>
    %dma_start3A_236 = arith.constant 0 : i32
    %dma_start3A_237 = arith.constant 0 : i32
    %dma_start3A_238 = tpu.memref_slice %arg2[%dma_start3A_236, %dma_start3A_237] : memref<4096x2048xf32, #tpu.memory_space<hbm>> -> memref<4096x2048xf32, #tpu.memory_space<hbm>>
    tpu.enqueue_indirect_dma source(%dma_start3A_238 : memref<4096x2048xf32, #tpu.memory_space<hbm>>) target(%dma_start3A_233 : memref<8x2048xf32, #tpu.memory_space<vmem>>) offsets(%dma_start3A_235 : memref<8xi32, #tpu.memory_space<vmem>>) semaphore(%arg12 : memref<!tpu.dma_semaphore, #tpu.memory_space<semaphore_mem>>)
    %dma_wait3A_239 = arith.constant 0 : i32
    %dma_wait3A_240 = arith.constant 0 : i32
    %dma_wait3A_241 = tpu.memref_slice %arg6[%dma_wait3A_239, %dma_wait3A_240] : memref<48x2048xf32, #tpu.memory_space<vmem>> -> memref<16x2048xf32, #tpu.memory_space<vmem>>
    %dma_wait3A_242 = arith.constant 0 : i32
    %dma_wait3A_243 = tpu.memref_slice %arg4[%add3A_220, %dma_wait3A_242] : memref<4096x2048xf32, #tpu.memory_space<hbm>> -> memref<16x2048xf32, #tpu.memory_space<hbm>>
    %dma_wait3A_244 = arith.constant 0 : i32
    %dma_wait3A_245 = tpu.memref_slice %arg4[%add3A_220, %dma_wait3A_244] : memref<4096x2048xf32, #tpu.memory_space<hbm>> -> memref<16x2048xf32, #tpu.memory_space<hbm>>
    %dma_wait3A_246 = arith.constant 0 : i32
    %dma_wait3A_247 = arith.constant 0 : i32
    %dma_wait3A_248 = tpu.memref_slice %arg6[%dma_wait3A_246, %dma_wait3A_247] : memref<48x2048xf32, #tpu.memory_space<vmem>> -> memref<16x2048xf32, #tpu.memory_space<vmem>>
    tpu.wait_dma2 semaphore(%arg13 : memref<!tpu.dma_semaphore, #tpu.memory_space<semaphore_mem>>) src(%dma_wait3A_248 : memref<16x2048xf32, #tpu.memory_space<vmem>>) dst(%dma_wait3A_245 : memref<16x2048xf32, #tpu.memory_space<hbm>>)
    %dma_start3A_249 = arith.constant 0 : i32
    %dma_start3A_250 = arith.constant 0 : i32
    %dma_start3A_251 = tpu.memref_slice %arg6[%dma_start3A_249, %dma_start3A_250] : memref<48x2048xf32, #tpu.memory_space<vmem>> -> memref<8x2048xf32, #tpu.memory_space<vmem>>
    %dma_start3A_252 = arith.constant 96 : i32
    %dma_start3A_253 = tpu.memref_slice %arg5[%dma_start3A_252] : memref<128xi32, #tpu.memory_space<vmem>> -> memref<8xi32, #tpu.memory_space<vmem>>
    %dma_start3A_254 = arith.constant 0 : i32
    %dma_start3A_255 = arith.constant 0 : i32
    %dma_start3A_256 = tpu.memref_slice %arg2[%dma_start3A_254, %dma_start3A_255] : memref<4096x2048xf32, #tpu.memory_space<hbm>> -> memref<4096x2048xf32, #tpu.memory_space<hbm>>
    tpu.enqueue_indirect_dma source(%dma_start3A_256 : memref<4096x2048xf32, #tpu.memory_space<hbm>>) target(%dma_start3A_251 : memref<8x2048xf32, #tpu.memory_space<vmem>>) offsets(%dma_start3A_253 : memref<8xi32, #tpu.memory_space<vmem>>) semaphore(%arg7 : memref<!tpu.dma_semaphore, #tpu.memory_space<semaphore_mem>>)
    %dma_wait3A_257 = arith.constant 16 : i32
    %dma_wait3A_258 = arith.constant 0 : i32
    %dma_wait3A_259 = tpu.memref_slice %arg6[%dma_wait3A_257, %dma_wait3A_258] : memref<48x2048xf32, #tpu.memory_space<vmem>> -> memref<8x2048xf32, #tpu.memory_space<vmem>>
    %dma_wait3A_260 = arith.constant 64 : i32
    %dma_wait3A_261 = tpu.memref_slice %arg5[%dma_wait3A_260] : memref<128xi32, #tpu.memory_space<vmem>> -> memref<8xi32, #tpu.memory_space<vmem>>
    %dma_wait3A_262 = arith.constant 0 : i32
    %dma_wait3A_263 = arith.constant 0 : i32
    %dma_wait3A_264 = tpu.memref_slice %arg2[%dma_wait3A_262, %dma_wait3A_263] : memref<4096x2048xf32, #tpu.memory_space<hbm>> -> memref<4096x2048xf32, #tpu.memory_space<hbm>>
    tpu.wait_indirect_dma semaphore(%arg9 : memref<!tpu.dma_semaphore, #tpu.memory_space<semaphore_mem>>) src(%dma_wait3A_264 : memref<4096x2048xf32, #tpu.memory_space<hbm>>) dst(%dma_wait3A_259 : memref<8x2048xf32, #tpu.memory_space<vmem>>)
    %dma_wait3A_265 = arith.constant 24 : i32
    %dma_wait3A_266 = arith.constant 0 : i32
    %dma_wait3A_267 = tpu.memref_slice %arg6[%dma_wait3A_265, %dma_wait3A_266] : memref<48x2048xf32, #tpu.memory_space<vmem>> -> memref<8x2048xf32, #tpu.memory_space<vmem>>
    %dma_wait3A_268 = arith.constant 72 : i32
    %dma_wait3A_269 = tpu.memref_slice %arg5[%dma_wait3A_268] : memref<128xi32, #tpu.memory_space<vmem>> -> memref<8xi32, #tpu.memory_space<vmem>>
    %dma_wait3A_270 = arith.constant 0 : i32
    %dma_wait3A_271 = arith.constant 0 : i32
    %dma_wait3A_272 = tpu.memref_slice %arg2[%dma_wait3A_270, %dma_wait3A_271] : memref<4096x2048xf32, #tpu.memory_space<hbm>> -> memref<4096x2048xf32, #tpu.memory_space<hbm>>
    tpu.wait_indirect_dma semaphore(%arg10 : memref<!tpu.dma_semaphore, #tpu.memory_space<semaphore_mem>>) src(%dma_wait3A_272 : memref<4096x2048xf32, #tpu.memory_space<hbm>>) dst(%dma_wait3A_267 : memref<8x2048xf32, #tpu.memory_space<vmem>>)
    %add3A_273 = arith.constant 64 : i32
    %add3A_274 = arith.addi %mul3A_2, %add3A_273 : i32
    %dma_start3A_275 = arith.constant 16 : i32
    %dma_start3A_276 = arith.constant 0 : i32
    %dma_start3A_277 = tpu.memref_slice %arg6[%dma_start3A_275, %dma_start3A_276] : memref<48x2048xf32, #tpu.memory_space<vmem>> -> memref<16x2048xf32, #tpu.memory_space<vmem>>
    %dma_start3A_278 = arith.constant 0 : i32
    %dma_start3A_279 = tpu.memref_slice %arg4[%add3A_274, %dma_start3A_278] : memref<4096x2048xf32, #tpu.memory_space<hbm>> -> memref<16x2048xf32, #tpu.memory_space<hbm>>
    %dma_start3A_280 = arith.constant 0 : i32
    %dma_start3A_281 = tpu.memref_slice %arg4[%add3A_274, %dma_start3A_280] : memref<4096x2048xf32, #tpu.memory_space<hbm>> -> memref<16x2048xf32, #tpu.memory_space<hbm>>
    %dma_start3A_282 = arith.constant 16 : i32
    %dma_start3A_283 = arith.constant 0 : i32
    %dma_start3A_284 = tpu.memref_slice %arg6[%dma_start3A_282, %dma_start3A_283] : memref<48x2048xf32, #tpu.memory_space<vmem>> -> memref<16x2048xf32, #tpu.memory_space<vmem>>
    tpu.enqueue_dma source(%dma_start3A_284 : memref<16x2048xf32, #tpu.memory_space<vmem>>) target(%dma_start3A_281 : memref<16x2048xf32, #tpu.memory_space<hbm>>) target_semaphore(%arg14 : memref<!tpu.dma_semaphore, #tpu.memory_space<semaphore_mem>>)
    %dma_start3A_285 = arith.constant 8 : i32
    %dma_start3A_286 = arith.constant 0 : i32
    %dma_start3A_287 = tpu.memref_slice %arg6[%dma_start3A_285, %dma_start3A_286] : memref<48x2048xf32, #tpu.memory_space<vmem>> -> memref<8x2048xf32, #tpu.memory_space<vmem>>
    %dma_start3A_288 = arith.constant 104 : i32
    %dma_start3A_289 = tpu.memref_slice %arg5[%dma_start3A_288] : memref<128xi32, #tpu.memory_space<vmem>> -> memref<8xi32, #tpu.memory_space<vmem>>
    %dma_start3A_290 = arith.constant 0 : i32
    %dma_start3A_291 = arith.constant 0 : i32
    %dma_start3A_292 = tpu.memref_slice %arg2[%dma_start3A_290, %dma_start3A_291] : memref<4096x2048xf32, #tpu.memory_space<hbm>> -> memref<4096x2048xf32, #tpu.memory_space<hbm>>
    tpu.enqueue_indirect_dma source(%dma_start3A_292 : memref<4096x2048xf32, #tpu.memory_space<hbm>>) target(%dma_start3A_287 : memref<8x2048xf32, #tpu.memory_space<vmem>>) offsets(%dma_start3A_289 : memref<8xi32, #tpu.memory_space<vmem>>) semaphore(%arg8 : memref<!tpu.dma_semaphore, #tpu.memory_space<semaphore_mem>>)
    %dma_wait3A_293 = arith.constant 16 : i32
    %dma_wait3A_294 = arith.constant 0 : i32
    %dma_wait3A_295 = tpu.memref_slice %arg6[%dma_wait3A_293, %dma_wait3A_294] : memref<48x2048xf32, #tpu.memory_space<vmem>> -> memref<16x2048xf32, #tpu.memory_space<vmem>>
    %dma_wait3A_296 = arith.constant 0 : i32
    %dma_wait3A_297 = tpu.memref_slice %arg4[%add3A_274, %dma_wait3A_296] : memref<4096x2048xf32, #tpu.memory_space<hbm>> -> memref<16x2048xf32, #tpu.memory_space<hbm>>
    %dma_wait3A_298 = arith.constant 0 : i32
    %dma_wait3A_299 = tpu.memref_slice %arg4[%add3A_274, %dma_wait3A_298] : memref<4096x2048xf32, #tpu.memory_space<hbm>> -> memref<16x2048xf32, #tpu.memory_space<hbm>>
    %dma_wait3A_300 = arith.constant 16 : i32
    %dma_wait3A_301 = arith.constant 0 : i32
    %dma_wait3A_302 = tpu.memref_slice %arg6[%dma_wait3A_300, %dma_wait3A_301] : memref<48x2048xf32, #tpu.memory_space<vmem>> -> memref<16x2048xf32, #tpu.memory_space<vmem>>
    tpu.wait_dma2 semaphore(%arg14 : memref<!tpu.dma_semaphore, #tpu.memory_space<semaphore_mem>>) src(%dma_wait3A_302 : memref<16x2048xf32, #tpu.memory_space<vmem>>) dst(%dma_wait3A_299 : memref<16x2048xf32, #tpu.memory_space<hbm>>)
    %dma_start3A_303 = arith.constant 16 : i32
    %dma_start3A_304 = arith.constant 0 : i32
    %dma_start3A_305 = tpu.memref_slice %arg6[%dma_start3A_303, %dma_start3A_304] : memref<48x2048xf32, #tpu.memory_space<vmem>> -> memref<8x2048xf32, #tpu.memory_space<vmem>>
    %dma_start3A_306 = arith.constant 112 : i32
    %dma_start3A_307 = tpu.memref_slice %arg5[%dma_start3A_306] : memref<128xi32, #tpu.memory_space<vmem>> -> memref<8xi32, #tpu.memory_space<vmem>>
    %dma_start3A_308 = arith.constant 0 : i32
    %dma_start3A_309 = arith.constant 0 : i32
    %dma_start3A_310 = tpu.memref_slice %arg2[%dma_start3A_308, %dma_start3A_309] : memref<4096x2048xf32, #tpu.memory_space<hbm>> -> memref<4096x2048xf32, #tpu.memory_space<hbm>>
    tpu.enqueue_indirect_dma source(%dma_start3A_310 : memref<4096x2048xf32, #tpu.memory_space<hbm>>) target(%dma_start3A_305 : memref<8x2048xf32, #tpu.memory_space<vmem>>) offsets(%dma_start3A_307 : memref<8xi32, #tpu.memory_space<vmem>>) semaphore(%arg9 : memref<!tpu.dma_semaphore, #tpu.memory_space<semaphore_mem>>)
    %dma_wait3A_311 = arith.constant 32 : i32
    %dma_wait3A_312 = arith.constant 0 : i32
    %dma_wait3A_313 = tpu.memref_slice %arg6[%dma_wait3A_311, %dma_wait3A_312] : memref<48x2048xf32, #tpu.memory_space<vmem>> -> memref<8x2048xf32, #tpu.memory_space<vmem>>
    %dma_wait3A_314 = arith.constant 80 : i32
    %dma_wait3A_315 = tpu.memref_slice %arg5[%dma_wait3A_314] : memref<128xi32, #tpu.memory_space<vmem>> -> memref<8xi32, #tpu.memory_space<vmem>>
    %dma_wait3A_316 = arith.constant 0 : i32
    %dma_wait3A_317 = arith.constant 0 : i32
    %dma_wait3A_318 = tpu.memref_slice %arg2[%dma_wait3A_316, %dma_wait3A_317] : memref<4096x2048xf32, #tpu.memory_space<hbm>> -> memref<4096x2048xf32, #tpu.memory_space<hbm>>
    tpu.wait_indirect_dma semaphore(%arg11 : memref<!tpu.dma_semaphore, #tpu.memory_space<semaphore_mem>>) src(%dma_wait3A_318 : memref<4096x2048xf32, #tpu.memory_space<hbm>>) dst(%dma_wait3A_313 : memref<8x2048xf32, #tpu.memory_space<vmem>>)
    %dma_wait3A_319 = arith.constant 40 : i32
    %dma_wait3A_320 = arith.constant 0 : i32
    %dma_wait3A_321 = tpu.memref_slice %arg6[%dma_wait3A_319, %dma_wait3A_320] : memref<48x2048xf32, #tpu.memory_space<vmem>> -> memref<8x2048xf32, #tpu.memory_space<vmem>>
    %dma_wait3A_322 = arith.constant 88 : i32
    %dma_wait3A_323 = tpu.memref_slice %arg5[%dma_wait3A_322] : memref<128xi32, #tpu.memory_space<vmem>> -> memref<8xi32, #tpu.memory_space<vmem>>
    %dma_wait3A_324 = arith.constant 0 : i32
    %dma_wait3A_325 = arith.constant 0 : i32
    %dma_wait3A_326 = tpu.memref_slice %arg2[%dma_wait3A_324, %dma_wait3A_325] : memref<4096x2048xf32, #tpu.memory_space<hbm>> -> memref<4096x2048xf32, #tpu.memory_space<hbm>>
    tpu.wait_indirect_dma semaphore(%arg12 : memref<!tpu.dma_semaphore, #tpu.memory_space<semaphore_mem>>) src(%dma_wait3A_326 : memref<4096x2048xf32, #tpu.memory_space<hbm>>) dst(%dma_wait3A_321 : memref<8x2048xf32, #tpu.memory_space<vmem>>)
    %add3A_327 = arith.constant 80 : i32
    %add3A_328 = arith.addi %mul3A_2, %add3A_327 : i32
    %dma_start3A_329 = arith.constant 32 : i32
    %dma_start3A_330 = arith.constant 0 : i32
    %dma_start3A_331 = tpu.memref_slice %arg6[%dma_start3A_329, %dma_start3A_330] : memref<48x2048xf32, #tpu.memory_space<vmem>> -> memref<16x2048xf32, #tpu.memory_space<vmem>>
    %dma_start3A_332 = arith.constant 0 : i32
    %dma_start3A_333 = tpu.memref_slice %arg4[%add3A_328, %dma_start3A_332] : memref<4096x2048xf32, #tpu.memory_space<hbm>> -> memref<16x2048xf32, #tpu.memory_space<hbm>>
    %dma_start3A_334 = arith.constant 0 : i32
    %dma_start3A_335 = tpu.memref_slice %arg4[%add3A_328, %dma_start3A_334] : memref<4096x2048xf32, #tpu.memory_space<hbm>> -> memref<16x2048xf32, #tpu.memory_space<hbm>>
    %dma_start3A_336 = arith.constant 32 : i32
    %dma_start3A_337 = arith.constant 0 : i32
    %dma_start3A_338 = tpu.memref_slice %arg6[%dma_start3A_336, %dma_start3A_337] : memref<48x2048xf32, #tpu.memory_space<vmem>> -> memref<16x2048xf32, #tpu.memory_space<vmem>>
    tpu.enqueue_dma source(%dma_start3A_338 : memref<16x2048xf32, #tpu.memory_space<vmem>>) target(%dma_start3A_335 : memref<16x2048xf32, #tpu.memory_space<hbm>>) target_semaphore(%arg15 : memref<!tpu.dma_semaphore, #tpu.memory_space<semaphore_mem>>)
    %dma_start3A_339 = arith.constant 24 : i32
    %dma_start3A_340 = arith.constant 0 : i32
    %dma_start3A_341 = tpu.memref_slice %arg6[%dma_start3A_339, %dma_start3A_340] : memref<48x2048xf32, #tpu.memory_space<vmem>> -> memref<8x2048xf32, #tpu.memory_space<vmem>>
    %dma_start3A_342 = arith.constant 120 : i32
    %dma_start3A_343 = tpu.memref_slice %arg5[%dma_start3A_342] : memref<128xi32, #tpu.memory_space<vmem>> -> memref<8xi32, #tpu.memory_space<vmem>>
    %dma_start3A_344 = arith.constant 0 : i32
    %dma_start3A_345 = arith.constant 0 : i32
    %dma_start3A_346 = tpu.memref_slice %arg2[%dma_start3A_344, %dma_start3A_345] : memref<4096x2048xf32, #tpu.memory_space<hbm>> -> memref<4096x2048xf32, #tpu.memory_space<hbm>>
    tpu.enqueue_indirect_dma source(%dma_start3A_346 : memref<4096x2048xf32, #tpu.memory_space<hbm>>) target(%dma_start3A_341 : memref<8x2048xf32, #tpu.memory_space<vmem>>) offsets(%dma_start3A_343 : memref<8xi32, #tpu.memory_space<vmem>>) semaphore(%arg10 : memref<!tpu.dma_semaphore, #tpu.memory_space<semaphore_mem>>)
    %dma_wait3A_347 = arith.constant 0 : i32
    %dma_wait3A_348 = arith.constant 0 : i32
    %dma_wait3A_349 = tpu.memref_slice %arg6[%dma_wait3A_347, %dma_wait3A_348] : memref<48x2048xf32, #tpu.memory_space<vmem>> -> memref<8x2048xf32, #tpu.memory_space<vmem>>
    %dma_wait3A_350 = arith.constant 96 : i32
    %dma_wait3A_351 = tpu.memref_slice %arg5[%dma_wait3A_350] : memref<128xi32, #tpu.memory_space<vmem>> -> memref<8xi32, #tpu.memory_space<vmem>>
    %dma_wait3A_352 = arith.constant 0 : i32
    %dma_wait3A_353 = arith.constant 0 : i32
    %dma_wait3A_354 = tpu.memref_slice %arg2[%dma_wait3A_352, %dma_wait3A_353] : memref<4096x2048xf32, #tpu.memory_space<hbm>> -> memref<4096x2048xf32, #tpu.memory_space<hbm>>
    tpu.wait_indirect_dma semaphore(%arg7 : memref<!tpu.dma_semaphore, #tpu.memory_space<semaphore_mem>>) src(%dma_wait3A_354 : memref<4096x2048xf32, #tpu.memory_space<hbm>>) dst(%dma_wait3A_349 : memref<8x2048xf32, #tpu.memory_space<vmem>>)
    %dma_wait3A_355 = arith.constant 8 : i32
    %dma_wait3A_356 = arith.constant 0 : i32
    %dma_wait3A_357 = tpu.memref_slice %arg6[%dma_wait3A_355, %dma_wait3A_356] : memref<48x2048xf32, #tpu.memory_space<vmem>> -> memref<8x2048xf32, #tpu.memory_space<vmem>>
    %dma_wait3A_358 = arith.constant 104 : i32
    %dma_wait3A_359 = tpu.memref_slice %arg5[%dma_wait3A_358] : memref<128xi32, #tpu.memory_space<vmem>> -> memref<8xi32, #tpu.memory_space<vmem>>
    %dma_wait3A_360 = arith.constant 0 : i32
    %dma_wait3A_361 = arith.constant 0 : i32
    %dma_wait3A_362 = tpu.memref_slice %arg2[%dma_wait3A_360, %dma_wait3A_361] : memref<4096x2048xf32, #tpu.memory_space<hbm>> -> memref<4096x2048xf32, #tpu.memory_space<hbm>>
    tpu.wait_indirect_dma semaphore(%arg8 : memref<!tpu.dma_semaphore, #tpu.memory_space<semaphore_mem>>) src(%dma_wait3A_362 : memref<4096x2048xf32, #tpu.memory_space<hbm>>) dst(%dma_wait3A_357 : memref<8x2048xf32, #tpu.memory_space<vmem>>)
    %add3A_363 = arith.constant 96 : i32
    %add3A_364 = arith.addi %mul3A_2, %add3A_363 : i32
    %dma_start3A_365 = arith.constant 0 : i32
    %dma_start3A_366 = arith.constant 0 : i32
    %dma_start3A_367 = tpu.memref_slice %arg6[%dma_start3A_365, %dma_start3A_366] : memref<48x2048xf32, #tpu.memory_space<vmem>> -> memref<16x2048xf32, #tpu.memory_space<vmem>>
    %dma_start3A_368 = arith.constant 0 : i32
    %dma_start3A_369 = tpu.memref_slice %arg4[%add3A_364, %dma_start3A_368] : memref<4096x2048xf32, #tpu.memory_space<hbm>> -> memref<16x2048xf32, #tpu.memory_space<hbm>>
    %dma_start3A_370 = arith.constant 0 : i32
    %dma_start3A_371 = tpu.memref_slice %arg4[%add3A_364, %dma_start3A_370] : memref<4096x2048xf32, #tpu.memory_space<hbm>> -> memref<16x2048xf32, #tpu.memory_space<hbm>>
    %dma_start3A_372 = arith.constant 0 : i32
    %dma_start3A_373 = arith.constant 0 : i32
    %dma_start3A_374 = tpu.memref_slice %arg6[%dma_start3A_372, %dma_start3A_373] : memref<48x2048xf32, #tpu.memory_space<vmem>> -> memref<16x2048xf32, #tpu.memory_space<vmem>>
    tpu.enqueue_dma source(%dma_start3A_374 : memref<16x2048xf32, #tpu.memory_space<vmem>>) target(%dma_start3A_371 : memref<16x2048xf32, #tpu.memory_space<hbm>>) target_semaphore(%arg13 : memref<!tpu.dma_semaphore, #tpu.memory_space<semaphore_mem>>)
    %dma_wait3A_375 = arith.constant 16 : i32
    %dma_wait3A_376 = arith.constant 0 : i32
    %dma_wait3A_377 = tpu.memref_slice %arg6[%dma_wait3A_375, %dma_wait3A_376] : memref<48x2048xf32, #tpu.memory_space<vmem>> -> memref<8x2048xf32, #tpu.memory_space<vmem>>
    %dma_wait3A_378 = arith.constant 112 : i32
    %dma_wait3A_379 = tpu.memref_slice %arg5[%dma_wait3A_378] : memref<128xi32, #tpu.memory_space<vmem>> -> memref<8xi32, #tpu.memory_space<vmem>>
    %dma_wait3A_380 = arith.constant 0 : i32
    %dma_wait3A_381 = arith.constant 0 : i32
    %dma_wait3A_382 = tpu.memref_slice %arg2[%dma_wait3A_380, %dma_wait3A_381] : memref<4096x2048xf32, #tpu.memory_space<hbm>> -> memref<4096x2048xf32, #tpu.memory_space<hbm>>
    tpu.wait_indirect_dma semaphore(%arg9 : memref<!tpu.dma_semaphore, #tpu.memory_space<semaphore_mem>>) src(%dma_wait3A_382 : memref<4096x2048xf32, #tpu.memory_space<hbm>>) dst(%dma_wait3A_377 : memref<8x2048xf32, #tpu.memory_space<vmem>>)
    %dma_wait3A_383 = arith.constant 24 : i32
    %dma_wait3A_384 = arith.constant 0 : i32
    %dma_wait3A_385 = tpu.memref_slice %arg6[%dma_wait3A_383, %dma_wait3A_384] : memref<48x2048xf32, #tpu.memory_space<vmem>> -> memref<8x2048xf32, #tpu.memory_space<vmem>>
    %dma_wait3A_386 = arith.constant 120 : i32
    %dma_wait3A_387 = tpu.memref_slice %arg5[%dma_wait3A_386] : memref<128xi32, #tpu.memory_space<vmem>> -> memref<8xi32, #tpu.memory_space<vmem>>
    %dma_wait3A_388 = arith.constant 0 : i32
    %dma_wait3A_389 = arith.constant 0 : i32
    %dma_wait3A_390 = tpu.memref_slice %arg2[%dma_wait3A_388, %dma_wait3A_389] : memref<4096x2048xf32, #tpu.memory_space<hbm>> -> memref<4096x2048xf32, #tpu.memory_space<hbm>>
    tpu.wait_indirect_dma semaphore(%arg10 : memref<!tpu.dma_semaphore, #tpu.memory_space<semaphore_mem>>) src(%dma_wait3A_390 : memref<4096x2048xf32, #tpu.memory_space<hbm>>) dst(%dma_wait3A_385 : memref<8x2048xf32, #tpu.memory_space<vmem>>)
    %add3A_391 = arith.constant 112 : i32
    %add3A_392 = arith.addi %mul3A_2, %add3A_391 : i32
    %dma_start3A_393 = arith.constant 16 : i32
    %dma_start3A_394 = arith.constant 0 : i32
    %dma_start3A_395 = tpu.memref_slice %arg6[%dma_start3A_393, %dma_start3A_394] : memref<48x2048xf32, #tpu.memory_space<vmem>> -> memref<16x2048xf32, #tpu.memory_space<vmem>>
    %dma_start3A_396 = arith.constant 0 : i32
    %dma_start3A_397 = tpu.memref_slice %arg4[%add3A_392, %dma_start3A_396] : memref<4096x2048xf32, #tpu.memory_space<hbm>> -> memref<16x2048xf32, #tpu.memory_space<hbm>>
    %dma_start3A_398 = arith.constant 0 : i32
    %dma_start3A_399 = tpu.memref_slice %arg4[%add3A_392, %dma_start3A_398] : memref<4096x2048xf32, #tpu.memory_space<hbm>> -> memref<16x2048xf32, #tpu.memory_space<hbm>>
    %dma_start3A_400 = arith.constant 16 : i32
    %dma_start3A_401 = arith.constant 0 : i32
    %dma_start3A_402 = tpu.memref_slice %arg6[%dma_start3A_400, %dma_start3A_401] : memref<48x2048xf32, #tpu.memory_space<vmem>> -> memref<16x2048xf32, #tpu.memory_space<vmem>>
    tpu.enqueue_dma source(%dma_start3A_402 : memref<16x2048xf32, #tpu.memory_space<vmem>>) target(%dma_start3A_399 : memref<16x2048xf32, #tpu.memory_space<hbm>>) target_semaphore(%arg14 : memref<!tpu.dma_semaphore, #tpu.memory_space<semaphore_mem>>)
    %dma_wait3A_403 = arith.constant 32 : i32
    %dma_wait3A_404 = arith.constant 0 : i32
    %dma_wait3A_405 = tpu.memref_slice %arg6[%dma_wait3A_403, %dma_wait3A_404] : memref<48x2048xf32, #tpu.memory_space<vmem>> -> memref<16x2048xf32, #tpu.memory_space<vmem>>
    %dma_wait3A_406 = arith.constant 0 : i32
    %dma_wait3A_407 = tpu.memref_slice %arg4[%add3A_328, %dma_wait3A_406] : memref<4096x2048xf32, #tpu.memory_space<hbm>> -> memref<16x2048xf32, #tpu.memory_space<hbm>>
    %dma_wait3A_408 = arith.constant 0 : i32
    %dma_wait3A_409 = tpu.memref_slice %arg4[%add3A_328, %dma_wait3A_408] : memref<4096x2048xf32, #tpu.memory_space<hbm>> -> memref<16x2048xf32, #tpu.memory_space<hbm>>
    %dma_wait3A_410 = arith.constant 32 : i32
    %dma_wait3A_411 = arith.constant 0 : i32
    %dma_wait3A_412 = tpu.memref_slice %arg6[%dma_wait3A_410, %dma_wait3A_411] : memref<48x2048xf32, #tpu.memory_space<vmem>> -> memref<16x2048xf32, #tpu.memory_space<vmem>>
    tpu.wait_dma2 semaphore(%arg15 : memref<!tpu.dma_semaphore, #tpu.memory_space<semaphore_mem>>) src(%dma_wait3A_412 : memref<16x2048xf32, #tpu.memory_space<vmem>>) dst(%dma_wait3A_409 : memref<16x2048xf32, #tpu.memory_space<hbm>>)
    %dma_wait3A_413 = arith.constant 0 : i32
    %dma_wait3A_414 = arith.constant 0 : i32
    %dma_wait3A_415 = tpu.memref_slice %arg6[%dma_wait3A_413, %dma_wait3A_414] : memref<48x2048xf32, #tpu.memory_space<vmem>> -> memref<16x2048xf32, #tpu.memory_space<vmem>>
    %dma_wait3A_416 = arith.constant 0 : i32
    %dma_wait3A_417 = tpu.memref_slice %arg4[%add3A_364, %dma_wait3A_416] : memref<4096x2048xf32, #tpu.memory_space<hbm>> -> memref<16x2048xf32, #tpu.memory_space<hbm>>
    %dma_wait3A_418 = arith.constant 0 : i32
    %dma_wait3A_419 = tpu.memref_slice %arg4[%add3A_364, %dma_wait3A_418] : memref<4096x2048xf32, #tpu.memory_space<hbm>> -> memref<16x2048xf32, #tpu.memory_space<hbm>>
    %dma_wait3A_420 = arith.constant 0 : i32
    %dma_wait3A_421 = arith.constant 0 : i32
    %dma_wait3A_422 = tpu.memref_slice %arg6[%dma_wait3A_420, %dma_wait3A_421] : memref<48x2048xf32, #tpu.memory_space<vmem>> -> memref<16x2048xf32, #tpu.memory_space<vmem>>
    tpu.wait_dma2 semaphore(%arg13 : memref<!tpu.dma_semaphore, #tpu.memory_space<semaphore_mem>>) src(%dma_wait3A_422 : memref<16x2048xf32, #tpu.memory_space<vmem>>) dst(%dma_wait3A_419 : memref<16x2048xf32, #tpu.memory_space<hbm>>)
    %dma_wait3A_423 = arith.constant 16 : i32
    %dma_wait3A_424 = arith.constant 0 : i32
    %dma_wait3A_425 = tpu.memref_slice %arg6[%dma_wait3A_423, %dma_wait3A_424] : memref<48x2048xf32, #tpu.memory_space<vmem>> -> memref<16x2048xf32, #tpu.memory_space<vmem>>
    %dma_wait3A_426 = arith.constant 0 : i32
    %dma_wait3A_427 = tpu.memref_slice %arg4[%add3A_392, %dma_wait3A_426] : memref<4096x2048xf32, #tpu.memory_space<hbm>> -> memref<16x2048xf32, #tpu.memory_space<hbm>>
    %dma_wait3A_428 = arith.constant 0 : i32
    %dma_wait3A_429 = tpu.memref_slice %arg4[%add3A_392, %dma_wait3A_428] : memref<4096x2048xf32, #tpu.memory_space<hbm>> -> memref<16x2048xf32, #tpu.memory_space<hbm>>
    %dma_wait3A_430 = arith.constant 16 : i32
    %dma_wait3A_431 = arith.constant 0 : i32
    %dma_wait3A_432 = tpu.memref_slice %arg6[%dma_wait3A_430, %dma_wait3A_431] : memref<48x2048xf32, #tpu.memory_space<vmem>> -> memref<16x2048xf32, #tpu.memory_space<vmem>>
    tpu.wait_dma2 semaphore(%arg14 : memref<!tpu.dma_semaphore, #tpu.memory_space<semaphore_mem>>) src(%dma_wait3A_432 : memref<16x2048xf32, #tpu.memory_space<vmem>>) dst(%dma_wait3A_429 : memref<16x2048xf32, #tpu.memory_space<hbm>>)
    return
  }
}

</mosaic_0001>

<sc_bundles>
// kernel: kernel.3.cloned.1.call-start
scs
__scs_entry_jumppad:
0x0: {  	(pc) =	sbr.rel $0x88, $3  }
0x1: {  	(tag) =	ssettag $0x0;
	lr =	simm.s32 $0x1  }
0x2: {  	[smem:$0x3F9F] =	sst lr;
	_ =	strace $0xD0000000  }
0x3: {  	_ = 	snop  }
0x4: {  	_ = 	snop  }
0x5: {  	_ = 	snop  }
0x6: {  	_ = 	snop  }
0x7: {  	_ = 	snop  }
__scs_overlays_trampoline_lowered:
0x8: {  	[smem:$0x3FAE] =	sst s0  }
0x9: {  	[smem:$0x3FAF] =	sst s1  }
0xa: {  	[smem:$0x3FB0] =	sst s2  }
0xb: {  	[smem:$0x3FB1] =	sst s3  }
0xc: {  	[smem:$0x3FB2] =	sst s4  }
0xd: {  	[smem:$0x3FB3] =	sst s5  }
0xe: {  	[smem:$0x3FB4] =	sst s6  }
0xf: {  	[smem:$0x3FB5] =	sst s7  }
0x10: {  	[smem:$0x3FB6] =	sst s8  }
0x11: {  	[smem:$0x3FB7] =	sst s9;
	s0 =	simm.s32 @!p0 $0x0  }
0x12: {  	s1 =	sld [smem:$0x3F9D];
	s0 =	simm.s32 @p0 $0x1  }
0x13: {  	[smem:$0x3FB8] =	sst s0;
	s0 =	simm.s32 @!p1 $0x0  }
0x14: {  	s2 =	sld [smem:$0x3F9C];
	s0 =	simm.s32 @p1 $0x1  }
0x15: {  	[smem:$0x3FB9] =	sst s0;
	s0 =	simm.s32 @!p2 $0x0  }
0x16: {  	s3 =	sld [smem:$0x3FDB];
	s0 =	simm.s32 @p2 $0x1  }
0x17: {  	s4 =	simm.s32 $0x1BF5;
	[smem:$0x3FBB] =	sst s0  }
0x18: {  	s0 =	sld [smem:$0x3F9E];
	_ =	swait.ge [sflag:s4], $0x0  }
0x19: {  	s7 =	sld [smem:$0x3F9F]  }
0x1a: {  	s8 =	sadd.s32 $0xFFFFE003, lr  }
0x1b: {  	s9 =	sadd.s32 $0xFFFFFEF7, lr;
	s5 =	simm.s32 $0xFFFFFFFF;
	p2 =	slt.u32 s8, $0xFFFFF086  }
0x1c: {  	p1 =	slt.u32 s9, $0xF7A;
	s5 =	simm.s32 @!p2 $0x0  }
0x1d: {  	s5 =	simm.s32 @p1 $0x1;
	p0 =	seq.s32 s7, s2  }
0x1e: {  	s7 =	smul.u32 @!p0 $0xF7A, s2;
	p2 =	seq.s32 @!p0 s5, $0x0  }
0x1f: {  	s9 =	smul.u32 $0xF7A, s1;
	s8 =	simm.s32 @!p0 $0x1BF5;
	p2 =	por !p2, p0  }
0x20: {  	[sflag:s8] =	ssyncset.s32 @!p0 $0xFFFFF086;
	s6 =	sadd.s32 @!p0 s3, s7;
	s7 =	simm.s32 @!p0 $0x108  }
0x21: {  	s3 =	sadd.s32 s3, s9;
	s6 =	sadd.s32 @!p0 $0x88, s6;
	s7 =	simm.s32 @p2 $0x1082  }
0x22: {  	[simem:s7], [sflag:s8] =	dma.local @!p0 [hbm:s6], $0xF7A  }
0x23: {  	s9 =	sor.u32 $0xD0000000, s2;
	s6 =	simm.s32 $0x108;
	_ =	swait.ge @!p0 [sflag:s8], $0x0  }
0x24: {  	s3 =	sadd.s32 $0x88, s3;
	s6 =	simm.s32 @!p1 $0x1082;
	[sflag:s4] =	ssyncset.s32 $0xFFFFF086  }
0x25: {  	[simem:s6], [sflag:s4] =	dma.local [hbm:s3], $0xF7A  }
0x26: {  	[smem:$0x3F9F] =	sst s1;
	(tag) =	ssettag s2;
	_ =	strace s9  }
0x27: {  	s1 =	sld [smem:$0x3FAF]  }
0x28: {  	s2 =	sld [smem:$0x3FB0]  }
0x29: {  	s4 =	sld [smem:$0x3FB2]  }
0x2a: {  	p0 =	seq.s32 s5, $0x0;
	s5 =	sld [smem:$0x3FB3]  }
0x2b: {  	s6 =	sld [smem:$0x3FB4]  }
0x2c: {  	s7 =	sld [smem:$0x3FB5]  }
0x2d: {  	s3 =	simm.s32 $0x108;
	s8 =	sld [smem:$0x3FB6]  }
0x2e: {  	s3 =	simm.s32 @!p0 $0x1082;
	s9 =	sld [smem:$0x3FB7]  }
0x2f: {  	lr =	sadd.s32 s0, s3;
	s0 =	sld [smem:$0x3FAE]  }
0x30: {  	s3 =	sld [smem:$0x3FB1]  }
0x31: {  	[smem:$0x3FBA] =	sst s10  }
0x32: {  	s10 =	sld [smem:$0x3FB8];
	_ =	sdelay $0x3  }
0x33: {  	p0 =	seq.s32 s10, $0x1;
	s10 =	sld [smem:$0x3FBA];
	_ =	sdelay $0x3  }
0x34: {  	[smem:$0x3FBA] =	sst s10  }
0x35: {  	s10 =	sld [smem:$0x3FB9];
	_ =	sdelay $0x3  }
0x36: {  	p1 =	seq.s32 s10, $0x1;
	s10 =	sld [smem:$0x3FBA];
	_ =	sdelay $0x3  }
0x37: {  	[smem:$0x3FBA] =	sst s10  }
0x38: {  	s10 =	sld [smem:$0x3FBB]  }
0x39: {  	_ = 	snop;
	(pc) =	sbr.ind lr, $3  }
0x3a: {  	_ = 	snop  }
0x3b: {  	_ = 	snop  }
0x3c: {  	p2 =	seq.s32 s10, $0x1;
	s10 =	sld [smem:$0x3FBA]  }
0x3d: {  	_ =	shalt  }
0x3e: {  	_ =	shalt  }
0x3f: {  	_ =	shalt  }
0x40: {  	_ =	shalt  }
0x41: {  	_ =	shalt  }
0x42: {  	_ =	shalt  }
0x43: {  	_ =	shalt  }
0x44: {  	_ =	shalt  }
0x45: {  	_ =	shalt  }
0x46: {  	_ =	shalt  }
0x47: {  	_ =	shalt  }
0x48: {  	_ =	shalt  }
0x49: {  	_ =	shalt  }
0x4a: {  	_ =	shalt  }
0x4b: {  	_ =	shalt  }
0x4c: {  	_ =	shalt  }
0x4d: {  	_ =	shalt  }
0x4e: {  	_ =	shalt  }
0x4f: {  	_ =	shalt  }
0x50: {  	_ =	shalt  }
0x51: {  	_ =	shalt  }
0x52: {  	_ =	shalt  }
0x53: {  	_ =	shalt  }
0x54: {  	_ =	shalt  }
0x55: {  	_ =	shalt  }
0x56: {  	_ =	shalt  }
0x57: {  	_ =	shalt  }
0x58: {  	_ =	shalt  }
0x59: {  	_ =	shalt  }
0x5a: {  	_ =	shalt  }
0x5b: {  	_ =	shalt  }
0x5c: {  	_ =	shalt  }
0x5d: {  	_ =	shalt  }
0x5e: {  	_ =	shalt  }
0x5f: {  	_ =	shalt  }
0x60: {  	_ =	shalt  }
0x61: {  	_ =	shalt  }
0x62: {  	_ =	shalt  }
0x63: {  	_ =	shalt  }
0x64: {  	_ =	shalt  }
0x65: {  	_ =	shalt  }
0x66: {  	_ =	shalt  }
0x67: {  	_ =	shalt  }
0x68: {  	_ =	shalt  }
0x69: {  	_ =	shalt  }
0x6a: {  	_ =	shalt  }
0x6b: {  	_ =	shalt  }
0x6c: {  	_ =	shalt  }
0x6d: {  	_ =	shalt  }
0x6e: {  	_ =	shalt  }
0x6f: {  	_ =	shalt  }
0x70: {  	_ =	shalt  }
0x71: {  	_ =	shalt  }
0x72: {  	_ =	shalt  }
0x73: {  	_ =	shalt  }
0x74: {  	_ =	shalt  }
0x75: {  	_ =	shalt  }
0x76: {  	_ =	shalt  }
0x77: {  	_ =	shalt  }
0x78: {  	_ =	shalt  }
0x79: {  	_ =	shalt  }
0x7a: {  	_ =	shalt  }
0x7b: {  	_ =	shalt  }
0x7c: {  	_ =	shalt  }
0x7d: {  	_ =	shalt  }
0x7e: {  	_ =	shalt  }
0x7f: {  	_ =	shalt  }
0x80: {  	_ =	shalt  }
0x81: {  	_ =	shalt  }
0x82: {  	_ =	shalt  }
0x83: {  	_ =	shalt  }
0x84: {  	_ =	shalt  }
0x85: {  	_ =	shalt  }
0x86: {  	_ =	shalt  }
0x87: {  	_ =	shalt  }
.Lfunc_end0:
.L_simem_size_0:
called_computation_lowered:
.L_overlay_start_0:
0x88: {  	s2 =	sld [smem:$0x3FD9]  }
0x89: {  	s3 =	sld [smem:$0x3FFE];
	_ =	sdelay $0x1  }
0x8a: {  	s1 =	srdreg.scid  }
0x8b: {  	s0 =	sand.u32 $0x1, s1  }
0x8c: {  	s15 =	sshll.u32 s0, $0xA;
	s2 =	sadd.s32 s3, s2  }
0x8d: {  	s2 =	sadd.s32 s2, s15  }
0x8e: {  	[smem:$0x3FC6] =	sst s2  }
0x8f: {  	_ = 	snop  }
0x90: {  	s2 =	sld [smem:$0x3FD0];
	_ =	sdelay $0x1  }
0x91: {  	s16 =	sld [smem:$0x3FC9]  }
0x92: {  	s5 =	simm.s32 $0xA;
	s6 =	simm.s32 $0x10;
	s4 =	sld [smem:$0x3FC8]  }
0x93: {  	[smem:s6], [sflag:s5] =	dma.local [hbm:s2], $0x1  }
0x94: {  	_ =	swait.eq [sflag:s5], $0x1  }
0x95: {  	[sflag:s5] =	ssyncset.done $0x0  }
0x96: {  	[sflag:s5] =	ssyncadd.s32 $0xFFFFFFFF  }
0x97: {  	s17 =	sld [smem:$0x10];
	(tm) =	ssettm $0x1  }
0x98: {  	s18 =	sld [smem:$0x3FFB];
	_ =	sdelay $0x3  }
0x99: {  	_ =	strace s18  }
0x9a: {  	s5 =	sld [smem:$0x3FFC];
	_ =	sdelay $0x3  }
0x9b: {  	_ =	strace s5  }
0x9c: {  	s5 =	sld [smem:$0x3FFD];
	_ =	sdelay $0x3  }
0x9d: {  	_ =	strace s5  }
0x9e: {  	_ =	strace $0x8FFFFFFF  }
0x9f: {  	s19 =	sld [smem:$0x3FDB];
	_ =	sdelay $0x1  }
0xa0: {  	s20 =	simm.s32 $_scs_section_size  }
0xa1: {  	s7 =	simm.s32 $_size__tile_overlayer_lowered;
	s8 =	simm.s32 $_tile_overlayer_lowered  }
0xa2: {  	s23 =	simm.s32 $0x1BFF;
	s22 =	sshll.u32 s8, $0x1;
	s5 =	sadd.s32 s20, s19  }
0xa3: {  	s9 =	simm.s32 $0x0;
	s21 =	sshll.u32 s7, $0x1;
	s7 =	sadd.s32 s22, s5  }
0xa4: {  	[timem:s9], [sflag:s23] =	dma.local [hbm:s7], s21  }
0xa5: {  	_ =	swait.ge [sflag:s23], s21  }
0xa6: {  	s6 =	ssub.s32 $0x0, s21;
	[sflag:s23] =	ssyncset.done $0x0  }
0xa7: {  	[sflag:s23] =	ssyncadd.s32 s6;
	_ =	sdelay $0x1  }
0xa8: {  	s24 =	simm.s32 $0x1B8B  }
0xa9: {  	_ =	swait.ge [sflag:s24], $0x1  }
0xaa: {  	[sflag:s24] =	ssyncset.done $0x0  }
0xab: {  	s25 =	simm.s32 $0x1B8E;
	[sflag:s24] =	ssyncadd.s32 $0xFFFFFFFF  }
0xac: {  	s26 =	simm.s32 $execute0_lowered;
	[smem:$0x3FD2] =	sst s25  }
0xad: {  	s6 =	sshll.u32 s26, $0x1;
	_ =	strace $0x80000046;
	[dreg:$0x1] =	wrdreg $0xFFFFFFFF  }
0xae: {  	s28 =	simm.s32 $_size_execute0_lowered;
	s5 =	sadd.s32 s5, s6;
	[dreg:$0x0] =	wrdreg $0x0  }
0xaf: {  	s6 =	sshll.u32 s28, $0x1;
	[dreg:$0x2] =	wrdreg s5  }
0xb0: {  	[dreg:$0x3] =	wrdreg s6  }
0xb1: {  	[dreg:$0x4] =	wrdreg $0xC0  }
0xb2: {  	_ =	task [dreg:s9], $0x5FFFF  }
0xb3: {  	[dreg:$0x1] =	wrdreg $0xFFFFFFFF  }
0xb4: {  	[dreg:$0x0] =	wrdreg $0x60  }
0xb5: {  	[dreg:$0x2] =	wrdreg s16  }
0xb6: {  	[dreg:$0x3] =	wrdreg s4  }
0xb7: {  	[dreg:$0x4] =	wrdreg s17  }
0xb8: {  	[dreg:$0x5] =	wrdreg $0x9  }
0xb9: {  	_ =	task.clear_ibuf [dreg:s9], $0x6FFFF;
	_ =	strace $0x90000046  }
0xba: {  	s29 =	simm.s32 $0x9;
	_ =	strace $0x80000048  }
0xbb: {  	_ =	swait.ge [sflag:s29], $0x1  }
0xbc: {  	[sflag:s29] =	ssyncadd.s32 $0xFFFFFFFF  }
0xbd: {  	_ =	strace $0x90000048  }
0xbe: {  	_ =	sfence  }
0xbf: {  	s30 =	sld [smem:$0x0];
	_ =	sdelay $0x2  }
0xc0: {  	s31 =	sshll.u32 s1, $0xD;
	s1 =	sshrl.u32 s1, $0x2  }
0xc1: {  	s3 =	sand.u32 $0x4000, s31;
	s1 =	sadd.s32 s1, s30  }
0xc2: {  	s0 =	sor.u32 s3, s0;
	s1 =	sshll.u32 s1, $0x11  }
0xc3: {  	s0 =	sor.u32 s1, s0  }
0xc4: {  	s0 =	sadd.s32 $0x8F2B, s0  }
0xc5: {  	[sflag:s0] =	ssyncadd.remote.s32 $0x1  }
0xc6: {  	_ =	sfence.sel $0xFFFF  }
0xc7: {  	[dreg:$0x0] =	wrdreg $0xFFFFFFFF;
	(pc) =	sbr.abs _section_cstart, $3  }
0xc8: {  	[dreg:$0x1] =	wrdreg $0xFFFFFFFF  }
0xc9: {  	_ =	task.clear_ibuf [dreg:s9], $0x2FFFF;
	_ =	strace $0x9FFFFFFF  }
0xca: {  	(tm) =	ssettm $0x7FFFFFFF  }
0xcb: {  	_ =	shalt  }
tec
execute0_lowered:
.L_overlay_start_1:
0x0: {  	(tag) =	ssettag $0x1  }
0x1: {  	s1 =	rddreg [dreg:$0x0]  }
0x2: {  	s0 =	rddreg [dreg:$0x1]  }
0x3: {  	s2 =	rddreg [dreg:$0x2];
	s4 =	srdreg.scid  }
0x4: {  	s3 =	simm.s32 $0x0;
	s5 =	stileid.u32;
	s29 =	simm.s32 $0x2  }
0x5: {  	s30 =	simm.s32 $0x7;
	s31 =	simm.s32 $0x80;
	s18 =	simm.s32 $0x11880  }
0x6: {  	s19 =	simm.s32 $0x12080;
	s4 =	sand.u32 $0x1, s4;
	[smem:$0x7FF] =	sst s3  }
0x7: {  	s5 =	sshll.u32 s5, $0x8;
	s8 =	sadd.s32 $0x400, s1;
	s6 =	sshll.u32 s4, $0x7  }
0x8: {  	s9 =	sadd.s32 $0x500, s1;
	s10 =	sadd.s32 $0x600, s1;
	s5 =	sor.u32 s6, s5  }
0x9: {  	s11 =	sadd.s32 $0x700, s1;
	_ =	strace $0x80000047;
	s7 =	sshrl.u32 s5, $0x3  }
0xa: {  	s4 =	ssub.s32 $0x2, s4;
	s5 =	sshll.u32 s5, $0x8;
	s0 =	sadd.s32 s0, s7  }
0xb: {  	s20 =	sshrl.u32 s4, $0x1;
	s2 =	sadd.s32 s2, s5;
	[dreg:$0x4] =	wrdreg s0  }
0xc: {  	s6 =	sadd.s32 $0x200, s1;
	s21 =	sadd.s32 $0x1000, s2;
	[dreg:$0xc] =	wrdreg s2  }
0xd: {  	s4 =	ssub.s32 s4, s20;
	s22 =	sadd.s32 $0x2000, s2;
	[dreg:$0x5] =	wrdreg s21  }
0xe: {  	s20 =	simm.s32 $0x12880;
	s23 =	sadd.s32 $0x3000, s2;
	[dreg:$0x6] =	wrdreg s22  }
0xf: {  	s5 =	sadd.s32 $0x100, s1;
	s24 =	sadd.s32 $0x4000, s2;
	[dreg:$0x7] =	wrdreg s23  }
0x10: {  	s7 =	sadd.s32 $0x300, s1;
	s25 =	sadd.s32 $0x5000, s2;
	[dreg:$0x8] =	wrdreg s24  }
0x11: {  	s12 =	smax.u32 s4, $0x1;
	s26 =	sadd.s32 $0x6000, s2;
	[dreg:$0x9] =	wrdreg s25  }
0x12: {  	s4 =	simm.s32 $0x8;
	s28 =	sadd.s32 $0x7000, s2;
	[dreg:$0xa] =	wrdreg s26  }
0x13: {  	v0 =	vlaneseq.u32;
	s0 =	simm.s32 $0x3;
	s2 =	simm.s32 $0x4;
	[dreg:$0xb] =	wrdreg s28  }
0x14: {  	v1 =	vshrl.u32 v0, $0x3;
	s23 =	simm.s32 $0x1;
	s25 =	simm.s32 $0x10880;
	s26 =	simm.s32 $0x11080  }
0x15: {  	vm0 =	vmmov $0xffff;
	v0 =	vand.u32 $0x7, v0;
	v1 =	vmul.u32 $0x8, v1;
	s21 =	simm.s32 $0x13080;
	s22 =	simm.s32 $0x13880;
	s24 =	simm.s32 $0x14880  }
.LBB2_1:
0x16: {  	s17 =	rddreg [dreg:$0x4];
	s16 =	simm.s32 $0xA  }
0x17: {  	[tilespmem:s3], [sflag:$0xA] =	stream.linear.gather [hbm4b:s17+s3], $0x80, $0x38;
	[tilespmem:$0x18080] =	vst v63  }
0x18: {  	_ =	swait.ge [sflag:s16], $0x80  }
0x19: {  	[sflag:s16] =	ssyncset.done $0x0  }
0x1a: {  	[sflag:s16] =	ssyncadd.s32 $0xFFFFFF80  }
0x1b: {  	v2 =	vld.msk [tilespmem:$0x0], $0xff;
	_ =	sdelay $0x4  }
0x1c: {  	v3 =	vshll.u32 v2, $0x4  }
0x1d: {  	v2 =	vand.u32 $0x7, v2;
	v3 =	vand.u32 $0xFFFFFF80, v3  }
0x1e: {  	v2 =	vor.u32 v2, v3  }
0x1f: {  	v2 =	vperm.xlane v2, v0;
	_ =	sdelay $0x1  }
0x20: {  	v2 =	vadd.s32 v1, v2;
	_ =	sdelay $0x4  }
0x21: {  	[tilespmem:s31], [sflag:$0x1] =	stream.indirect_vreg.gather [hbm4b:s1+s3], $0x80, v2, vm0, $0xb8;
	[tilespmem:$0x18080] =	vst v63  }
0x22: {  	s13 =	simm.s32 $0x880  }
0x23: {  	[tilespmem:s13], [sflag:$0x1] =	stream.indirect_vreg.gather [hbm4b:s5+s3], $0x80, v2, vm0, $0xb8;
	[tilespmem:$0x18080] =	vst v63  }
0x24: {  	s28 =	simm.s32 $0x1080  }
0x25: {  	[tilespmem:s28], [sflag:$0x1] =	stream.indirect_vreg.gather [hbm4b:s6+s3], $0x80, v2, vm0, $0xb8;
	[tilespmem:$0x18080] =	vst v63  }
0x26: {  	s14 =	simm.s32 $0x1880  }
0x27: {  	[tilespmem:s14], [sflag:$0x1] =	stream.indirect_vreg.gather [hbm4b:s7+s3], $0x80, v2, vm0, $0xb8;
	[tilespmem:$0x18080] =	vst v63  }
0x28: {  	s16 =	simm.s32 $0x2080  }
0x29: {  	[tilespmem:s16], [sflag:$0x1] =	stream.indirect_vreg.gather [hbm4b:s8+s3], $0x80, v2, vm0, $0xb8;
	[tilespmem:$0x18080] =	vst v63  }
0x2a: {  	s17 =	simm.s32 $0x2880  }
0x2b: {  	[tilespmem:s17], [sflag:$0x1] =	stream.indirect_vreg.gather [hbm4b:s9+s3], $0x80, v2, vm0, $0xb8;
	[tilespmem:$0x18080] =	vst v63  }
0x2c: {  	s14 =	simm.s32 $0x3080  }
0x2d: {  	[tilespmem:s14], [sflag:$0x1] =	stream.indirect_vreg.gather [hbm4b:s10+s3], $0x80, v2, vm0, $0xb8;
	[tilespmem:$0x18080] =	vst v63  }
0x2e: {  	s16 =	simm.s32 $0x3880  }
0x2f: {  	[tilespmem:s16], [sflag:$0x1] =	stream.indirect_vreg.gather [hbm4b:s11+s3], $0x80, v2, vm0, $0xb8;
	[tilespmem:$0x18080] =	vst v63  }
0x30: {  	v2 =	vld.msk [tilespmem:$0x8], $0xff;
	_ =	sdelay $0x4  }
0x31: {  	v3 =	vshll.u32 v2, $0x4  }
0x32: {  	v2 =	vand.u32 $0x7, v2;
	v3 =	vand.u32 $0xFFFFFF80, v3  }
0x33: {  	v2 =	vor.u32 v2, v3  }
0x34: {  	v2 =	vperm.xlane v2, v0;
	_ =	sdelay $0x1  }
0x35: {  	v2 =	vadd.s32 v1, v2;
	_ =	sdelay $0x3  }
0x36: {  	s17 =	simm.s32 $0x4080  }
0x37: {  	[tilespmem:s17], [sflag:$0x2] =	stream.indirect_vreg.gather [hbm4b:s1+s3], $0x80, v2, vm0, $0xb8;
	[tilespmem:$0x18080] =	vst v63  }
0x38: {  	s14 =	simm.s32 $0x4880  }
0x39: {  	[tilespmem:s14], [sflag:$0x2] =	stream.indirect_vreg.gather [hbm4b:s5+s3], $0x80, v2, vm0, $0xb8;
	[tilespmem:$0x18080] =	vst v63  }
0x3a: {  	s17 =	simm.s32 $0x5080  }
0x3b: {  	[tilespmem:s17], [sflag:$0x2] =	stream.indirect_vreg.gather [hbm4b:s6+s3], $0x80, v2, vm0, $0xb8;
	[tilespmem:$0x18080] =	vst v63  }
0x3c: {  	s14 =	simm.s32 $0x5880  }
0x3d: {  	[tilespmem:s14], [sflag:$0x2] =	stream.indirect_vreg.gather [hbm4b:s7+s3], $0x80, v2, vm0, $0xb8;
	[tilespmem:$0x18080] =	vst v63  }
0x3e: {  	s17 =	simm.s32 $0x6080  }
0x3f: {  	[tilespmem:s17], [sflag:$0x2] =	stream.indirect_vreg.gather [hbm4b:s8+s3], $0x80, v2, vm0, $0xb8;
	[tilespmem:$0x18080] =	vst v63  }
0x40: {  	s14 =	simm.s32 $0x6880  }
0x41: {  	[tilespmem:s14], [sflag:$0x2] =	stream.indirect_vreg.gather [hbm4b:s9+s3], $0x80, v2, vm0, $0xb8;
	[tilespmem:$0x18080] =	vst v63  }
0x42: {  	s17 =	simm.s32 $0x7080  }
0x43: {  	[tilespmem:s17], [sflag:$0x2] =	stream.indirect_vreg.gather [hbm4b:s10+s3], $0x80, v2, vm0, $0xb8;
	[tilespmem:$0x18080] =	vst v63  }
0x44: {  	s14 =	simm.s32 $0x7880  }
0x45: {  	[tilespmem:s14], [sflag:$0x2] =	stream.indirect_vreg.gather [hbm4b:s11+s3], $0x80, v2, vm0, $0xb8;
	[tilespmem:$0x18080] =	vst v63  }
0x46: {  	v2 =	vld.msk [tilespmem:$0x10], $0xff;
	_ =	sdelay $0x4  }
0x47: {  	v3 =	vshll.u32 v2, $0x4  }
0x48: {  	v2 =	vand.u32 $0x7, v2;
	v3 =	vand.u32 $0xFFFFFF80, v3  }
0x49: {  	v2 =	vor.u32 v2, v3  }
0x4a: {  	v2 =	vperm.xlane v2, v0;
	_ =	sdelay $0x1  }
0x4b: {  	v2 =	vadd.s32 v1, v2;
	_ =	sdelay $0x3  }
0x4c: {  	s13 =	simm.s32 $0x8080  }
0x4d: {  	[tilespmem:s13], [sflag:$0x3] =	stream.indirect_vreg.gather [hbm4b:s1+s3], $0x80, v2, vm0, $0xb8;
	[tilespmem:$0x18080] =	vst v63  }
0x4e: {  	s14 =	simm.s32 $0x8880  }
0x4f: {  	[tilespmem:s14], [sflag:$0x3] =	stream.indirect_vreg.gather [hbm4b:s5+s3], $0x80, v2, vm0, $0xb8;
	[tilespmem:$0x18080] =	vst v63  }
0x50: {  	s17 =	simm.s32 $0x9080  }
0x51: {  	[tilespmem:s17], [sflag:$0x3] =	stream.indirect_vreg.gather [hbm4b:s6+s3], $0x80, v2, vm0, $0xb8;
	[tilespmem:$0x18080] =	vst v63  }
0x52: {  	s17 =	simm.s32 $0x9880  }
0x53: {  	[tilespmem:s17], [sflag:$0x3] =	stream.indirect_vreg.gather [hbm4b:s7+s3], $0x80, v2, vm0, $0xb8;
	[tilespmem:$0x18080] =	vst v63  }
0x54: {  	s17 =	simm.s32 $0xA080  }
0x55: {  	[tilespmem:s17], [sflag:$0x3] =	stream.indirect_vreg.gather [hbm4b:s8+s3], $0x80, v2, vm0, $0xb8;
	[tilespmem:$0x18080] =	vst v63  }
0x56: {  	s17 =	simm.s32 $0xA880  }
0x57: {  	[tilespmem:s17], [sflag:$0x3] =	stream.indirect_vreg.gather [hbm4b:s9+s3], $0x80, v2, vm0, $0xb8;
	[tilespmem:$0x18080] =	vst v63  }
0x58: {  	s17 =	simm.s32 $0xB080  }
0x59: {  	[tilespmem:s17], [sflag:$0x3] =	stream.indirect_vreg.gather [hbm4b:s10+s3], $0x80, v2, vm0, $0xb8;
	[tilespmem:$0x18080] =	vst v63  }
0x5a: {  	s17 =	simm.s32 $0xB880  }
0x5b: {  	[tilespmem:s17], [sflag:$0x3] =	stream.indirect_vreg.gather [hbm4b:s11+s3], $0x80, v2, vm0, $0xb8;
	[tilespmem:$0x18080] =	vst v63  }
0x5c: {  	v2 =	vld.msk [tilespmem:$0x18], $0xff;
	_ =	sdelay $0x4  }
0x5d: {  	v3 =	vshll.u32 v2, $0x4  }
0x5e: {  	v2 =	vand.u32 $0x7, v2;
	v3 =	vand.u32 $0xFFFFFF80, v3  }
0x5f: {  	v2 =	vor.u32 v2, v3  }
0x60: {  	v2 =	vperm.xlane v2, v0;
	_ =	sdelay $0x1  }
0x61: {  	v2 =	vadd.s32 v1, v2;
	_ =	sdelay $0x3  }
0x62: {  	s17 =	simm.s32 $0xC080  }
0x63: {  	[tilespmem:s17], [sflag:$0x4] =	stream.indirect_vreg.gather [hbm4b:s1+s3], $0x80, v2, vm0, $0xb8;
	[tilespmem:$0x18080] =	vst v63  }
0x64: {  	s17 =	simm.s32 $0xC880  }
0x65: {  	[tilespmem:s17], [sflag:$0x4] =	stream.indirect_vreg.gather [hbm4b:s5+s3], $0x80, v2, vm0, $0xb8;
	[tilespmem:$0x18080] =	vst v63  }
0x66: {  	s17 =	simm.s32 $0xD080  }
0x67: {  	[tilespmem:s17], [sflag:$0x4] =	stream.indirect_vreg.gather [hbm4b:s6+s3], $0x80, v2, vm0, $0xb8;
	[tilespmem:$0x18080] =	vst v63  }
0x68: {  	s17 =	simm.s32 $0xD880  }
0x69: {  	[tilespmem:s17], [sflag:$0x4] =	stream.indirect_vreg.gather [hbm4b:s7+s3], $0x80, v2, vm0, $0xb8;
	[tilespmem:$0x18080] =	vst v63  }
0x6a: {  	s17 =	simm.s32 $0xE080  }
0x6b: {  	[tilespmem:s17], [sflag:$0x4] =	stream.indirect_vreg.gather [hbm4b:s8+s3], $0x80, v2, vm0, $0xb8;
	[tilespmem:$0x18080] =	vst v63  }
0x6c: {  	s17 =	simm.s32 $0xE880  }
0x6d: {  	[tilespmem:s17], [sflag:$0x4] =	stream.indirect_vreg.gather [hbm4b:s9+s3], $0x80, v2, vm0, $0xb8;
	[tilespmem:$0x18080] =	vst v63  }
0x6e: {  	s17 =	simm.s32 $0xF080  }
0x6f: {  	[tilespmem:s17], [sflag:$0x4] =	stream.indirect_vreg.gather [hbm4b:s10+s3], $0x80, v2, vm0, $0xb8;
	[tilespmem:$0x18080] =	vst v63  }
0x70: {  	s17 =	simm.s32 $0xF880  }
0x71: {  	[tilespmem:s17], [sflag:$0x4] =	stream.indirect_vreg.gather [hbm4b:s11+s3], $0x80, v2, vm0, $0xb8;
	[tilespmem:$0x18080] =	vst v63  }
0x72: {  	v2 =	vld.msk [tilespmem:$0x20], $0xff;
	_ =	sdelay $0x4  }
0x73: {  	v3 =	vshll.u32 v2, $0x4  }
0x74: {  	v2 =	vand.u32 $0x7, v2;
	v3 =	vand.u32 $0xFFFFFF80, v3  }
0x75: {  	v2 =	vor.u32 v2, v3  }
0x76: {  	v2 =	vperm.xlane v2, v0;
	_ =	sdelay $0x1  }
0x77: {  	v2 =	vadd.s32 v1, v2;
	_ =	sdelay $0x3  }
0x78: {  	s14 =	simm.s32 $0x10080  }
0x79: {  	[tilespmem:s14], [sflag:$0x5] =	stream.indirect_vreg.gather [hbm4b:s1+s3], $0x80, v2, vm0, $0xb8;
	[tilespmem:$0x18080] =	vst v63  }
0x7a: {  	_ = 	snop  }
0x7b: {  	[tilespmem:s25], [sflag:$0x5] =	stream.indirect_vreg.gather [hbm4b:s5+s3], $0x80, v2, vm0, $0xb8;
	[tilespmem:$0x18080] =	vst v63  }
0x7c: {  	_ = 	snop  }
0x7d: {  	[tilespmem:s26], [sflag:$0x5] =	stream.indirect_vreg.gather [hbm4b:s6+s3], $0x80, v2, vm0, $0xb8;
	[tilespmem:$0x18080] =	vst v63  }
0x7e: {  	_ = 	snop  }
0x7f: {  	[tilespmem:s18], [sflag:$0x5] =	stream.indirect_vreg.gather [hbm4b:s7+s3], $0x80, v2, vm0, $0xb8;
	[tilespmem:$0x18080] =	vst v63  }
0x80: {  	_ = 	snop  }
0x81: {  	[tilespmem:s19], [sflag:$0x5] =	stream.indirect_vreg.gather [hbm4b:s8+s3], $0x80, v2, vm0, $0xb8;
	[tilespmem:$0x18080] =	vst v63  }
0x82: {  	_ = 	snop  }
0x83: {  	[tilespmem:s20], [sflag:$0x5] =	stream.indirect_vreg.gather [hbm4b:s9+s3], $0x80, v2, vm0, $0xb8;
	[tilespmem:$0x18080] =	vst v63  }
0x84: {  	_ = 	snop  }
0x85: {  	[tilespmem:s21], [sflag:$0x5] =	stream.indirect_vreg.gather [hbm4b:s10+s3], $0x80, v2, vm0, $0xb8;
	[tilespmem:$0x18080] =	vst v63  }
0x86: {  	_ = 	snop  }
0x87: {  	[tilespmem:s22], [sflag:$0x5] =	stream.indirect_vreg.gather [hbm4b:s11+s3], $0x80, v2, vm0, $0xb8;
	[tilespmem:$0x18080] =	vst v63  }
0x88: {  	_ =	swait.ge [sflag:s23], $0x4000  }
0x89: {  	[sflag:s23] =	ssyncset.done $0x0  }
0x8a: {  	[sflag:s23] =	ssyncadd.s32 $0xFFFFC000  }
0x8b: {  	_ =	swait.ge [sflag:s29], $0x4000  }
0x8c: {  	[sflag:s29] =	ssyncset.done $0x0  }
0x8d: {  	s17 =	rddreg [dreg:$0xc];
	[sflag:s29] =	ssyncadd.s32 $0xFFFFC000  }
0x8e: {  	[hbm4b:s17+s3] =	stream.linear.scatter [tilespmem:s31], [sflag:$0x7], $0x8000, $0x38;
	[tilespmem:$0x18080] =	vst v63  }
0x8f: {  	v2 =	vld.msk [tilespmem:$0x28], $0xff;
	_ =	sdelay $0x4  }
0x90: {  	v3 =	vshll.u32 v2, $0x4  }
0x91: {  	v2 =	vand.u32 $0x7, v2;
	v3 =	vand.u32 $0xFFFFFF80, v3  }
0x92: {  	v2 =	vor.u32 v2, v3  }
0x93: {  	v2 =	vperm.xlane v2, v0;
	_ =	sdelay $0x1  }
0x94: {  	v2 =	vadd.s32 v1, v2;
	_ =	sdelay $0x3  }
0x95: {  	s17 =	simm.s32 $0x14080  }
0x96: {  	[tilespmem:s17], [sflag:$0x6] =	stream.indirect_vreg.gather [hbm4b:s1+s3], $0x80, v2, vm0, $0xb8;
	[tilespmem:$0x18080] =	vst v63  }
0x97: {  	_ = 	snop  }
0x98: {  	[tilespmem:s24], [sflag:$0x6] =	stream.indirect_vreg.gather [hbm4b:s5+s3], $0x80, v2, vm0, $0xb8;
	[tilespmem:$0x18080] =	vst v63  }
0x99: {  	s17 =	simm.s32 $0x15080  }
0x9a: {  	[tilespmem:s17], [sflag:$0x6] =	stream.indirect_vreg.gather [hbm4b:s6+s3], $0x80, v2, vm0, $0xb8;
	[tilespmem:$0x18080] =	vst v63  }
0x9b: {  	s17 =	simm.s32 $0x15880  }
0x9c: {  	[tilespmem:s17], [sflag:$0x6] =	stream.indirect_vreg.gather [hbm4b:s7+s3], $0x80, v2, vm0, $0xb8;
	[tilespmem:$0x18080] =	vst v63  }
0x9d: {  	s17 =	simm.s32 $0x16080  }
0x9e: {  	[tilespmem:s17], [sflag:$0x6] =	stream.indirect_vreg.gather [hbm4b:s8+s3], $0x80, v2, vm0, $0xb8;
	[tilespmem:$0x18080] =	vst v63  }
0x9f: {  	s17 =	simm.s32 $0x16880  }
0xa0: {  	[tilespmem:s17], [sflag:$0x6] =	stream.indirect_vreg.gather [hbm4b:s9+s3], $0x80, v2, vm0, $0xb8;
	[tilespmem:$0x18080] =	vst v63  }
0xa1: {  	s17 =	simm.s32 $0x17080  }
0xa2: {  	[tilespmem:s17], [sflag:$0x6] =	stream.indirect_vreg.gather [hbm4b:s10+s3], $0x80, v2, vm0, $0xb8;
	[tilespmem:$0x18080] =	vst v63  }
0xa3: {  	s17 =	simm.s32 $0x17880  }
0xa4: {  	[tilespmem:s17], [sflag:$0x6] =	stream.indirect_vreg.gather [hbm4b:s11+s3], $0x80, v2, vm0, $0xb8;
	[tilespmem:$0x18080] =	vst v63  }
0xa5: {  	_ =	swait.ge [sflag:s30], $0x8000  }
0xa6: {  	[sflag:s30] =	ssyncset.done $0x0  }
0xa7: {  	[sflag:s30] =	ssyncadd.s32 $0xFFFF8000  }
0xa8: {  	v2 =	vld.msk [tilespmem:$0x30], $0xff;
	_ =	sdelay $0x4  }
0xa9: {  	v3 =	vshll.u32 v2, $0x4  }
0xaa: {  	v2 =	vand.u32 $0x7, v2;
	v3 =	vand.u32 $0xFFFFFF80, v3  }
0xab: {  	v2 =	vor.u32 v2, v3  }
0xac: {  	v2 =	vperm.xlane v2, v0;
	_ =	sdelay $0x1  }
0xad: {  	v2 =	vadd.s32 v1, v2;
	_ =	sdelay $0x4  }
0xae: {  	[tilespmem:s31], [sflag:$0x1] =	stream.indirect_vreg.gather [hbm4b:s1+s3], $0x80, v2, vm0, $0xb8;
	[tilespmem:$0x18080] =	vst v63  }
0xaf: {  	s15 =	simm.s32 $0x880  }
0xb0: {  	[tilespmem:s15], [sflag:$0x1] =	stream.indirect_vreg.gather [hbm4b:s5+s3], $0x80, v2, vm0, $0xb8;
	[tilespmem:$0x18080] =	vst v63  }
0xb1: {  	s17 =	simm.s32 $0x1080  }
0xb2: {  	[tilespmem:s17], [sflag:$0x1] =	stream.indirect_vreg.gather [hbm4b:s6+s3], $0x80, v2, vm0, $0xb8;
	[tilespmem:$0x18080] =	vst v63  }
0xb3: {  	s28 =	simm.s32 $0x1880  }
0xb4: {  	[tilespmem:s28], [sflag:$0x1] =	stream.indirect_vreg.gather [hbm4b:s7+s3], $0x80, v2, vm0, $0xb8;
	[tilespmem:$0x18080] =	vst v63  }
0xb5: {  	s28 =	simm.s32 $0x2080  }
0xb6: {  	[tilespmem:s28], [sflag:$0x1] =	stream.indirect_vreg.gather [hbm4b:s8+s3], $0x80, v2, vm0, $0xb8;
	[tilespmem:$0x18080] =	vst v63  }
0xb7: {  	s17 =	simm.s32 $0x2880  }
0xb8: {  	[tilespmem:s17], [sflag:$0x1] =	stream.indirect_vreg.gather [hbm4b:s9+s3], $0x80, v2, vm0, $0xb8;
	[tilespmem:$0x18080] =	vst v63  }
0xb9: {  	s28 =	simm.s32 $0x3080  }
0xba: {  	[tilespmem:s28], [sflag:$0x1] =	stream.indirect_vreg.gather [hbm4b:s10+s3], $0x80, v2, vm0, $0xb8;
	[tilespmem:$0x18080] =	vst v63  }
0xbb: {  	s16 =	simm.s32 $0x3880  }
0xbc: {  	[tilespmem:s16], [sflag:$0x1] =	stream.indirect_vreg.gather [hbm4b:s11+s3], $0x80, v2, vm0, $0xb8;
	[tilespmem:$0x18080] =	vst v63  }
0xbd: {  	_ =	swait.ge [sflag:s0], $0x4000  }
0xbe: {  	[sflag:s0] =	ssyncset.done $0x0  }
0xbf: {  	[sflag:s0] =	ssyncadd.s32 $0xFFFFC000  }
0xc0: {  	_ =	swait.ge [sflag:s2], $0x4000  }
0xc1: {  	[sflag:s2] =	ssyncset.done $0x0  }
0xc2: {  	s15 =	rddreg [dreg:$0x5];
	[sflag:s2] =	ssyncadd.s32 $0xFFFFC000  }
0xc3: {  	[hbm4b:s15+s3] =	stream.linear.scatter [tilespmem:s13], [sflag:$0x8], $0x8000, $0x38;
	[tilespmem:$0x18080] =	vst v63  }
0xc4: {  	v2 =	vld.msk [tilespmem:$0x38], $0xff;
	_ =	sdelay $0x4  }
0xc5: {  	v3 =	vshll.u32 v2, $0x4  }
0xc6: {  	v2 =	vand.u32 $0x7, v2;
	v3 =	vand.u32 $0xFFFFFF80, v3  }
0xc7: {  	v2 =	vor.u32 v2, v3  }
0xc8: {  	v2 =	vperm.xlane v2, v0;
	_ =	sdelay $0x1  }
0xc9: {  	v2 =	vadd.s32 v1, v2;
	_ =	sdelay $0x3  }
0xca: {  	s16 =	simm.s32 $0x4080  }
0xcb: {  	[tilespmem:s16], [sflag:$0x2] =	stream.indirect_vreg.gather [hbm4b:s1+s3], $0x80, v2, vm0, $0xb8;
	[tilespmem:$0x18080] =	vst v63  }
0xcc: {  	s17 =	simm.s32 $0x4880  }
0xcd: {  	[tilespmem:s17], [sflag:$0x2] =	stream.indirect_vreg.gather [hbm4b:s5+s3], $0x80, v2, vm0, $0xb8;
	[tilespmem:$0x18080] =	vst v63  }
0xce: {  	s28 =	simm.s32 $0x5080  }
0xcf: {  	[tilespmem:s28], [sflag:$0x2] =	stream.indirect_vreg.gather [hbm4b:s6+s3], $0x80, v2, vm0, $0xb8;
	[tilespmem:$0x18080] =	vst v63  }
0xd0: {  	s16 =	simm.s32 $0x5880  }
0xd1: {  	[tilespmem:s16], [sflag:$0x2] =	stream.indirect_vreg.gather [hbm4b:s7+s3], $0x80, v2, vm0, $0xb8;
	[tilespmem:$0x18080] =	vst v63  }
0xd2: {  	s17 =	simm.s32 $0x6080  }
0xd3: {  	[tilespmem:s17], [sflag:$0x2] =	stream.indirect_vreg.gather [hbm4b:s8+s3], $0x80, v2, vm0, $0xb8;
	[tilespmem:$0x18080] =	vst v63  }
0xd4: {  	s28 =	simm.s32 $0x6880  }
0xd5: {  	[tilespmem:s28], [sflag:$0x2] =	stream.indirect_vreg.gather [hbm4b:s9+s3], $0x80, v2, vm0, $0xb8;
	[tilespmem:$0x18080] =	vst v63  }
0xd6: {  	s16 =	simm.s32 $0x7080  }
0xd7: {  	[tilespmem:s16], [sflag:$0x2] =	stream.indirect_vreg.gather [hbm4b:s10+s3], $0x80, v2, vm0, $0xb8;
	[tilespmem:$0x18080] =	vst v63  }
0xd8: {  	s17 =	simm.s32 $0x7880  }
0xd9: {  	[tilespmem:s17], [sflag:$0x2] =	stream.indirect_vreg.gather [hbm4b:s11+s3], $0x80, v2, vm0, $0xb8;
	[tilespmem:$0x18080] =	vst v63  }
0xda: {  	_ =	swait.ge [sflag:s4], $0x8000  }
0xdb: {  	[sflag:s4] =	ssyncset.done $0x0  }
0xdc: {  	[sflag:s4] =	ssyncadd.s32 $0xFFFF8000  }
0xdd: {  	v2 =	vld.msk [tilespmem:$0x40], $0xff;
	_ =	sdelay $0x4  }
0xde: {  	v3 =	vshll.u32 v2, $0x4  }
0xdf: {  	v2 =	vand.u32 $0x7, v2;
	v3 =	vand.u32 $0xFFFFFF80, v3  }
0xe0: {  	v2 =	vor.u32 v2, v3  }
0xe1: {  	v2 =	vperm.xlane v2, v0;
	_ =	sdelay $0x1  }
0xe2: {  	v2 =	vadd.s32 v1, v2;
	_ =	sdelay $0x4  }
0xe3: {  	[tilespmem:s13], [sflag:$0x3] =	stream.indirect_vreg.gather [hbm4b:s1+s3], $0x80, v2, vm0, $0xb8;
	[tilespmem:$0x18080] =	vst v63  }
0xe4: {  	s28 =	simm.s32 $0x8880  }
0xe5: {  	[tilespmem:s28], [sflag:$0x3] =	stream.indirect_vreg.gather [hbm4b:s5+s3], $0x80, v2, vm0, $0xb8;
	[tilespmem:$0x18080] =	vst v63  }
0xe6: {  	s16 =	simm.s32 $0x9080  }
0xe7: {  	[tilespmem:s16], [sflag:$0x3] =	stream.indirect_vreg.gather [hbm4b:s6+s3], $0x80, v2, vm0, $0xb8;
	[tilespmem:$0x18080] =	vst v63  }
0xe8: {  	s17 =	simm.s32 $0x9880  }
0xe9: {  	[tilespmem:s17], [sflag:$0x3] =	stream.indirect_vreg.gather [hbm4b:s7+s3], $0x80, v2, vm0, $0xb8;
	[tilespmem:$0x18080] =	vst v63  }
0xea: {  	s28 =	simm.s32 $0xA080  }
0xeb: {  	[tilespmem:s28], [sflag:$0x3] =	stream.indirect_vreg.gather [hbm4b:s8+s3], $0x80, v2, vm0, $0xb8;
	[tilespmem:$0x18080] =	vst v63  }
0xec: {  	s16 =	simm.s32 $0xA880  }
0xed: {  	[tilespmem:s16], [sflag:$0x3] =	stream.indirect_vreg.gather [hbm4b:s9+s3], $0x80, v2, vm0, $0xb8;
	[tilespmem:$0x18080] =	vst v63  }
0xee: {  	s17 =	simm.s32 $0xB080  }
0xef: {  	[tilespmem:s17], [sflag:$0x3] =	stream.indirect_vreg.gather [hbm4b:s10+s3], $0x80, v2, vm0, $0xb8;
	[tilespmem:$0x18080] =	vst v63  }
0xf0: {  	s28 =	simm.s32 $0xB880  }
0xf1: {  	[tilespmem:s28], [sflag:$0x3] =	stream.indirect_vreg.gather [hbm4b:s11+s3], $0x80, v2, vm0, $0xb8;
	[tilespmem:$0x18080] =	vst v63  }
0xf2: {  	s28 =	simm.s32 $0x5  }
0xf3: {  	_ =	swait.ge [sflag:s28], $0x4000  }
0xf4: {  	[sflag:s28] =	ssyncset.done $0x0  }
0xf5: {  	s15 =	simm.s32 $0x6;
	[sflag:s28] =	ssyncadd.s32 $0xFFFFC000  }
0xf6: {  	_ =	swait.ge [sflag:s15], $0x4000  }
0xf7: {  	[sflag:s15] =	ssyncset.done $0x0  }
0xf8: {  	s16 =	rddreg [dreg:$0x6];
	[sflag:s15] =	ssyncadd.s32 $0xFFFFC000  }
0xf9: {  	[hbm4b:s16+s3] =	stream.linear.scatter [tilespmem:s14], [sflag:$0x9], $0x8000, $0x38;
	[tilespmem:$0x18080] =	vst v63  }
0xfa: {  	v2 =	vld.msk [tilespmem:$0x48], $0xff;
	_ =	sdelay $0x4  }
0xfb: {  	v3 =	vshll.u32 v2, $0x4  }
0xfc: {  	v2 =	vand.u32 $0x7, v2;
	v3 =	vand.u32 $0xFFFFFF80, v3  }
0xfd: {  	v2 =	vor.u32 v2, v3  }
0xfe: {  	v2 =	vperm.xlane v2, v0;
	_ =	sdelay $0x1  }
0xff: {  	v2 =	vadd.s32 v1, v2;
	_ =	sdelay $0x3  }
0x100: {  	s17 =	simm.s32 $0xC080  }
0x101: {  	[tilespmem:s17], [sflag:$0x4] =	stream.indirect_vreg.gather [hbm4b:s1+s3], $0x80, v2, vm0, $0xb8;
	[tilespmem:$0x18080] =	vst v63  }
0x102: {  	s17 =	simm.s32 $0xC880  }
0x103: {  	[tilespmem:s17], [sflag:$0x4] =	stream.indirect_vreg.gather [hbm4b:s5+s3], $0x80, v2, vm0, $0xb8;
	[tilespmem:$0x18080] =	vst v63  }
0x104: {  	s17 =	simm.s32 $0xD080  }
0x105: {  	[tilespmem:s17], [sflag:$0x4] =	stream.indirect_vreg.gather [hbm4b:s6+s3], $0x80, v2, vm0, $0xb8;
	[tilespmem:$0x18080] =	vst v63  }
0x106: {  	s17 =	simm.s32 $0xD880  }
0x107: {  	[tilespmem:s17], [sflag:$0x4] =	stream.indirect_vreg.gather [hbm4b:s7+s3], $0x80, v2, vm0, $0xb8;
	[tilespmem:$0x18080] =	vst v63  }
0x108: {  	s17 =	simm.s32 $0xE080  }
0x109: {  	[tilespmem:s17], [sflag:$0x4] =	stream.indirect_vreg.gather [hbm4b:s8+s3], $0x80, v2, vm0, $0xb8;
	[tilespmem:$0x18080] =	vst v63  }
0x10a: {  	s17 =	simm.s32 $0xE880  }
0x10b: {  	[tilespmem:s17], [sflag:$0x4] =	stream.indirect_vreg.gather [hbm4b:s9+s3], $0x80, v2, vm0, $0xb8;
	[tilespmem:$0x18080] =	vst v63  }
0x10c: {  	s17 =	simm.s32 $0xF080  }
0x10d: {  	[tilespmem:s17], [sflag:$0x4] =	stream.indirect_vreg.gather [hbm4b:s10+s3], $0x80, v2, vm0, $0xb8;
	[tilespmem:$0x18080] =	vst v63  }
0x10e: {  	s16 =	simm.s32 $0x9;
	s17 =	simm.s32 $0xF880  }
0x10f: {  	[tilespmem:s17], [sflag:$0x4] =	stream.indirect_vreg.gather [hbm4b:s11+s3], $0x80, v2, vm0, $0xb8;
	[tilespmem:$0x18080] =	vst v63  }
0x110: {  	_ =	swait.ge [sflag:s16], $0x8000  }
0x111: {  	[sflag:s16] =	ssyncset.done $0x0  }
0x112: {  	[sflag:s16] =	ssyncadd.s32 $0xFFFF8000  }
0x113: {  	v2 =	vld.msk [tilespmem:$0x50], $0xff;
	_ =	sdelay $0x4  }
0x114: {  	v3 =	vshll.u32 v2, $0x4  }
0x115: {  	v2 =	vand.u32 $0x7, v2;
	v3 =	vand.u32 $0xFFFFFF80, v3  }
0x116: {  	v2 =	vor.u32 v2, v3  }
0x117: {  	v2 =	vperm.xlane v2, v0;
	_ =	sdelay $0x1  }
0x118: {  	v2 =	vadd.s32 v1, v2;
	_ =	sdelay $0x4  }
0x119: {  	[tilespmem:s14], [sflag:$0x5] =	stream.indirect_vreg.gather [hbm4b:s1+s3], $0x80, v2, vm0, $0xb8;
	[tilespmem:$0x18080] =	vst v63  }
0x11a: {  	_ = 	snop  }
0x11b: {  	[tilespmem:s25], [sflag:$0x5] =	stream.indirect_vreg.gather [hbm4b:s5+s3], $0x80, v2, vm0, $0xb8;
	[tilespmem:$0x18080] =	vst v63  }
0x11c: {  	_ = 	snop  }
0x11d: {  	[tilespmem:s26], [sflag:$0x5] =	stream.indirect_vreg.gather [hbm4b:s6+s3], $0x80, v2, vm0, $0xb8;
	[tilespmem:$0x18080] =	vst v63  }
0x11e: {  	_ = 	snop  }
0x11f: {  	[tilespmem:s18], [sflag:$0x5] =	stream.indirect_vreg.gather [hbm4b:s7+s3], $0x80, v2, vm0, $0xb8;
	[tilespmem:$0x18080] =	vst v63  }
0x120: {  	_ = 	snop  }
0x121: {  	[tilespmem:s19], [sflag:$0x5] =	stream.indirect_vreg.gather [hbm4b:s8+s3], $0x80, v2, vm0, $0xb8;
	[tilespmem:$0x18080] =	vst v63  }
0x122: {  	_ = 	snop  }
0x123: {  	[tilespmem:s20], [sflag:$0x5] =	stream.indirect_vreg.gather [hbm4b:s9+s3], $0x80, v2, vm0, $0xb8;
	[tilespmem:$0x18080] =	vst v63  }
0x124: {  	_ = 	snop  }
0x125: {  	[tilespmem:s21], [sflag:$0x5] =	stream.indirect_vreg.gather [hbm4b:s10+s3], $0x80, v2, vm0, $0xb8;
	[tilespmem:$0x18080] =	vst v63  }
0x126: {  	_ = 	snop  }
0x127: {  	[tilespmem:s22], [sflag:$0x5] =	stream.indirect_vreg.gather [hbm4b:s11+s3], $0x80, v2, vm0, $0xb8;
	[tilespmem:$0x18080] =	vst v63  }
0x128: {  	_ =	swait.ge [sflag:s23], $0x4000  }
0x129: {  	[sflag:s23] =	ssyncset.done $0x0  }
0x12a: {  	[sflag:s23] =	ssyncadd.s32 $0xFFFFC000  }
0x12b: {  	_ =	swait.ge [sflag:s29], $0x4000  }
0x12c: {  	[sflag:s29] =	ssyncset.done $0x0  }
0x12d: {  	s17 =	rddreg [dreg:$0x7];
	[sflag:s29] =	ssyncadd.s32 $0xFFFFC000  }
0x12e: {  	[hbm4b:s17+s3] =	stream.linear.scatter [tilespmem:s31], [sflag:$0x7], $0x8000, $0x38;
	[tilespmem:$0x18080] =	vst v63  }
0x12f: {  	v2 =	vld.msk [tilespmem:$0x58], $0xff;
	_ =	sdelay $0x4  }
0x130: {  	v3 =	vshll.u32 v2, $0x4  }
0x131: {  	v2 =	vand.u32 $0x7, v2;
	v3 =	vand.u32 $0xFFFFFF80, v3  }
0x132: {  	v2 =	vor.u32 v2, v3  }
0x133: {  	v2 =	vperm.xlane v2, v0;
	_ =	sdelay $0x1  }
0x134: {  	v2 =	vadd.s32 v1, v2;
	_ =	sdelay $0x3  }
0x135: {  	s17 =	simm.s32 $0x14080  }
0x136: {  	[tilespmem:s17], [sflag:$0x6] =	stream.indirect_vreg.gather [hbm4b:s1+s3], $0x80, v2, vm0, $0xb8;
	[tilespmem:$0x18080] =	vst v63  }
0x137: {  	_ = 	snop  }
0x138: {  	[tilespmem:s24], [sflag:$0x6] =	stream.indirect_vreg.gather [hbm4b:s5+s3], $0x80, v2, vm0, $0xb8;
	[tilespmem:$0x18080] =	vst v63  }
0x139: {  	s17 =	simm.s32 $0x15080  }
0x13a: {  	[tilespmem:s17], [sflag:$0x6] =	stream.indirect_vreg.gather [hbm4b:s6+s3], $0x80, v2, vm0, $0xb8;
	[tilespmem:$0x18080] =	vst v63  }
0x13b: {  	s17 =	simm.s32 $0x15880  }
0x13c: {  	[tilespmem:s17], [sflag:$0x6] =	stream.indirect_vreg.gather [hbm4b:s7+s3], $0x80, v2, vm0, $0xb8;
	[tilespmem:$0x18080] =	vst v63  }
0x13d: {  	s17 =	simm.s32 $0x16080  }
0x13e: {  	[tilespmem:s17], [sflag:$0x6] =	stream.indirect_vreg.gather [hbm4b:s8+s3], $0x80, v2, vm0, $0xb8;
	[tilespmem:$0x18080] =	vst v63  }
0x13f: {  	s17 =	simm.s32 $0x16880  }
0x140: {  	[tilespmem:s17], [sflag:$0x6] =	stream.indirect_vreg.gather [hbm4b:s9+s3], $0x80, v2, vm0, $0xb8;
	[tilespmem:$0x18080] =	vst v63  }
0x141: {  	s17 =	simm.s32 $0x17080  }
0x142: {  	[tilespmem:s17], [sflag:$0x6] =	stream.indirect_vreg.gather [hbm4b:s10+s3], $0x80, v2, vm0, $0xb8;
	[tilespmem:$0x18080] =	vst v63  }
0x143: {  	s17 =	simm.s32 $0x17880  }
0x144: {  	[tilespmem:s17], [sflag:$0x6] =	stream.indirect_vreg.gather [hbm4b:s11+s3], $0x80, v2, vm0, $0xb8;
	[tilespmem:$0x18080] =	vst v63  }
0x145: {  	_ =	swait.ge [sflag:s30], $0x8000  }
0x146: {  	[sflag:s30] =	ssyncset.done $0x0  }
0x147: {  	[sflag:s30] =	ssyncadd.s32 $0xFFFF8000  }
0x148: {  	v2 =	vld.msk [tilespmem:$0x60], $0xff;
	_ =	sdelay $0x4  }
0x149: {  	v3 =	vshll.u32 v2, $0x4  }
0x14a: {  	v2 =	vand.u32 $0x7, v2;
	v3 =	vand.u32 $0xFFFFFF80, v3  }
0x14b: {  	v2 =	vor.u32 v2, v3  }
0x14c: {  	v2 =	vperm.xlane v2, v0;
	_ =	sdelay $0x1  }
0x14d: {  	v2 =	vadd.s32 v1, v2;
	_ =	sdelay $0x4  }
0x14e: {  	[tilespmem:s31], [sflag:$0x1] =	stream.indirect_vreg.gather [hbm4b:s1+s3], $0x80, v2, vm0, $0xb8;
	[tilespmem:$0x18080] =	vst v63  }
0x14f: {  	s17 =	simm.s32 $0x880  }
0x150: {  	[tilespmem:s17], [sflag:$0x1] =	stream.indirect_vreg.gather [hbm4b:s5+s3], $0x80, v2, vm0, $0xb8;
	[tilespmem:$0x18080] =	vst v63  }
0x151: {  	s17 =	simm.s32 $0x1080  }
0x152: {  	[tilespmem:s17], [sflag:$0x1] =	stream.indirect_vreg.gather [hbm4b:s6+s3], $0x80, v2, vm0, $0xb8;
	[tilespmem:$0x18080] =	vst v63  }
0x153: {  	s17 =	simm.s32 $0x1880  }
0x154: {  	[tilespmem:s17], [sflag:$0x1] =	stream.indirect_vreg.gather [hbm4b:s7+s3], $0x80, v2, vm0, $0xb8;
	[tilespmem:$0x18080] =	vst v63  }
0x155: {  	s17 =	simm.s32 $0x2080  }
0x156: {  	[tilespmem:s17], [sflag:$0x1] =	stream.indirect_vreg.gather [hbm4b:s8+s3], $0x80, v2, vm0, $0xb8;
	[tilespmem:$0x18080] =	vst v63  }
0x157: {  	s17 =	simm.s32 $0x2880  }
0x158: {  	[tilespmem:s17], [sflag:$0x1] =	stream.indirect_vreg.gather [hbm4b:s9+s3], $0x80, v2, vm0, $0xb8;
	[tilespmem:$0x18080] =	vst v63  }
0x159: {  	s17 =	simm.s32 $0x3080  }
0x15a: {  	[tilespmem:s17], [sflag:$0x1] =	stream.indirect_vreg.gather [hbm4b:s10+s3], $0x80, v2, vm0, $0xb8;
	[tilespmem:$0x18080] =	vst v63  }
0x15b: {  	s17 =	simm.s32 $0x3880  }
0x15c: {  	[tilespmem:s17], [sflag:$0x1] =	stream.indirect_vreg.gather [hbm4b:s11+s3], $0x80, v2, vm0, $0xb8;
	[tilespmem:$0x18080] =	vst v63  }
0x15d: {  	_ =	swait.ge [sflag:s0], $0x4000  }
0x15e: {  	[sflag:s0] =	ssyncset.done $0x0  }
0x15f: {  	[sflag:s0] =	ssyncadd.s32 $0xFFFFC000  }
0x160: {  	_ =	swait.ge [sflag:s2], $0x4000  }
0x161: {  	[sflag:s2] =	ssyncset.done $0x0  }
0x162: {  	s17 =	rddreg [dreg:$0x8];
	[sflag:s2] =	ssyncadd.s32 $0xFFFFC000  }
0x163: {  	[hbm4b:s17+s3] =	stream.linear.scatter [tilespmem:s13], [sflag:$0x8], $0x8000, $0x38;
	[tilespmem:$0x18080] =	vst v63  }
0x164: {  	v2 =	vld.msk [tilespmem:$0x68], $0xff;
	_ =	sdelay $0x4  }
0x165: {  	v3 =	vshll.u32 v2, $0x4  }
0x166: {  	v2 =	vand.u32 $0x7, v2;
	v3 =	vand.u32 $0xFFFFFF80, v3  }
0x167: {  	v2 =	vor.u32 v2, v3  }
0x168: {  	v2 =	vperm.xlane v2, v0;
	_ =	sdelay $0x1  }
0x169: {  	v2 =	vadd.s32 v1, v2;
	_ =	sdelay $0x3  }
0x16a: {  	s17 =	simm.s32 $0x4080  }
0x16b: {  	[tilespmem:s17], [sflag:$0x2] =	stream.indirect_vreg.gather [hbm4b:s1+s3], $0x80, v2, vm0, $0xb8;
	[tilespmem:$0x18080] =	vst v63  }
0x16c: {  	s17 =	simm.s32 $0x4880  }
0x16d: {  	[tilespmem:s17], [sflag:$0x2] =	stream.indirect_vreg.gather [hbm4b:s5+s3], $0x80, v2, vm0, $0xb8;
	[tilespmem:$0x18080] =	vst v63  }
0x16e: {  	s17 =	simm.s32 $0x5080  }
0x16f: {  	[tilespmem:s17], [sflag:$0x2] =	stream.indirect_vreg.gather [hbm4b:s6+s3], $0x80, v2, vm0, $0xb8;
	[tilespmem:$0x18080] =	vst v63  }
0x170: {  	s17 =	simm.s32 $0x5880  }
0x171: {  	[tilespmem:s17], [sflag:$0x2] =	stream.indirect_vreg.gather [hbm4b:s7+s3], $0x80, v2, vm0, $0xb8;
	[tilespmem:$0x18080] =	vst v63  }
0x172: {  	s17 =	simm.s32 $0x6080  }
0x173: {  	[tilespmem:s17], [sflag:$0x2] =	stream.indirect_vreg.gather [hbm4b:s8+s3], $0x80, v2, vm0, $0xb8;
	[tilespmem:$0x18080] =	vst v63  }
0x174: {  	s17 =	simm.s32 $0x6880  }
0x175: {  	[tilespmem:s17], [sflag:$0x2] =	stream.indirect_vreg.gather [hbm4b:s9+s3], $0x80, v2, vm0, $0xb8;
	[tilespmem:$0x18080] =	vst v63  }
0x176: {  	s17 =	simm.s32 $0x7080  }
0x177: {  	[tilespmem:s17], [sflag:$0x2] =	stream.indirect_vreg.gather [hbm4b:s10+s3], $0x80, v2, vm0, $0xb8;
	[tilespmem:$0x18080] =	vst v63  }
0x178: {  	s17 =	simm.s32 $0x7880  }
0x179: {  	[tilespmem:s17], [sflag:$0x2] =	stream.indirect_vreg.gather [hbm4b:s11+s3], $0x80, v2, vm0, $0xb8;
	[tilespmem:$0x18080] =	vst v63  }
0x17a: {  	_ =	swait.ge [sflag:s4], $0x8000  }
0x17b: {  	[sflag:s4] =	ssyncset.done $0x0  }
0x17c: {  	[sflag:s4] =	ssyncadd.s32 $0xFFFF8000  }
0x17d: {  	v2 =	vld.msk [tilespmem:$0x70], $0xff;
	_ =	sdelay $0x4  }
0x17e: {  	v3 =	vshll.u32 v2, $0x4  }
0x17f: {  	v2 =	vand.u32 $0x7, v2;
	v3 =	vand.u32 $0xFFFFFF80, v3  }
0x180: {  	v2 =	vor.u32 v2, v3  }
0x181: {  	v2 =	vperm.xlane v2, v0;
	_ =	sdelay $0x1  }
0x182: {  	v2 =	vadd.s32 v1, v2;
	_ =	sdelay $0x4  }
0x183: {  	[tilespmem:s13], [sflag:$0x3] =	stream.indirect_vreg.gather [hbm4b:s1+s3], $0x80, v2, vm0, $0xb8;
	[tilespmem:$0x18080] =	vst v63  }
0x184: {  	s17 =	simm.s32 $0x8880  }
0x185: {  	[tilespmem:s17], [sflag:$0x3] =	stream.indirect_vreg.gather [hbm4b:s5+s3], $0x80, v2, vm0, $0xb8;
	[tilespmem:$0x18080] =	vst v63  }
0x186: {  	s17 =	simm.s32 $0x9080  }
0x187: {  	[tilespmem:s17], [sflag:$0x3] =	stream.indirect_vreg.gather [hbm4b:s6+s3], $0x80, v2, vm0, $0xb8;
	[tilespmem:$0x18080] =	vst v63  }
0x188: {  	s17 =	simm.s32 $0x9880  }
0x189: {  	[tilespmem:s17], [sflag:$0x3] =	stream.indirect_vreg.gather [hbm4b:s7+s3], $0x80, v2, vm0, $0xb8;
	[tilespmem:$0x18080] =	vst v63  }
0x18a: {  	s17 =	simm.s32 $0xA080  }
0x18b: {  	[tilespmem:s17], [sflag:$0x3] =	stream.indirect_vreg.gather [hbm4b:s8+s3], $0x80, v2, vm0, $0xb8;
	[tilespmem:$0x18080] =	vst v63  }
0x18c: {  	s17 =	simm.s32 $0xA880  }
0x18d: {  	[tilespmem:s17], [sflag:$0x3] =	stream.indirect_vreg.gather [hbm4b:s9+s3], $0x80, v2, vm0, $0xb8;
	[tilespmem:$0x18080] =	vst v63  }
0x18e: {  	s17 =	simm.s32 $0xB080  }
0x18f: {  	[tilespmem:s17], [sflag:$0x3] =	stream.indirect_vreg.gather [hbm4b:s10+s3], $0x80, v2, vm0, $0xb8;
	[tilespmem:$0x18080] =	vst v63  }
0x190: {  	s17 =	simm.s32 $0xB880  }
0x191: {  	[tilespmem:s17], [sflag:$0x3] =	stream.indirect_vreg.gather [hbm4b:s11+s3], $0x80, v2, vm0, $0xb8;
	[tilespmem:$0x18080] =	vst v63  }
0x192: {  	_ =	swait.ge [sflag:s28], $0x4000  }
0x193: {  	[sflag:s28] =	ssyncset.done $0x0  }
0x194: {  	[sflag:s28] =	ssyncadd.s32 $0xFFFFC000  }
0x195: {  	_ =	swait.ge [sflag:s15], $0x4000  }
0x196: {  	[sflag:s15] =	ssyncset.done $0x0  }
0x197: {  	s28 =	rddreg [dreg:$0x9];
	[sflag:s15] =	ssyncadd.s32 $0xFFFFC000  }
0x198: {  	[hbm4b:s28+s3] =	stream.linear.scatter [tilespmem:s14], [sflag:$0x9], $0x8000, $0x38;
	[tilespmem:$0x18080] =	vst v63  }
0x199: {  	v2 =	vld.msk [tilespmem:$0x78], $0xff;
	_ =	sdelay $0x4  }
0x19a: {  	v3 =	vshll.u32 v2, $0x4  }
0x19b: {  	v2 =	vand.u32 $0x7, v2;
	v3 =	vand.u32 $0xFFFFFF80, v3  }
0x19c: {  	v2 =	vor.u32 v2, v3  }
0x19d: {  	v2 =	vperm.xlane v2, v0;
	_ =	sdelay $0x1  }
0x19e: {  	v2 =	vadd.s32 v1, v2;
	_ =	sdelay $0x3  }
0x19f: {  	s17 =	simm.s32 $0xC080  }
0x1a0: {  	[tilespmem:s17], [sflag:$0x4] =	stream.indirect_vreg.gather [hbm4b:s1+s3], $0x80, v2, vm0, $0xb8;
	[tilespmem:$0x18080] =	vst v63  }
0x1a1: {  	s28 =	simm.s32 $0xC880  }
0x1a2: {  	[tilespmem:s28], [sflag:$0x4] =	stream.indirect_vreg.gather [hbm4b:s5+s3], $0x80, v2, vm0, $0xb8;
	[tilespmem:$0x18080] =	vst v63  }
0x1a3: {  	s15 =	simm.s32 $0xD080  }
0x1a4: {  	[tilespmem:s15], [sflag:$0x4] =	stream.indirect_vreg.gather [hbm4b:s6+s3], $0x80, v2, vm0, $0xb8;
	[tilespmem:$0x18080] =	vst v63  }
0x1a5: {  	s17 =	simm.s32 $0xD880  }
0x1a6: {  	[tilespmem:s17], [sflag:$0x4] =	stream.indirect_vreg.gather [hbm4b:s7+s3], $0x80, v2, vm0, $0xb8;
	[tilespmem:$0x18080] =	vst v63  }
0x1a7: {  	s28 =	simm.s32 $0xE080  }
0x1a8: {  	[tilespmem:s28], [sflag:$0x4] =	stream.indirect_vreg.gather [hbm4b:s8+s3], $0x80, v2, vm0, $0xb8;
	[tilespmem:$0x18080] =	vst v63  }
0x1a9: {  	s15 =	simm.s32 $0xE880  }
0x1aa: {  	[tilespmem:s15], [sflag:$0x4] =	stream.indirect_vreg.gather [hbm4b:s9+s3], $0x80, v2, vm0, $0xb8;
	[tilespmem:$0x18080] =	vst v63  }
0x1ab: {  	s17 =	simm.s32 $0xF080  }
0x1ac: {  	[tilespmem:s17], [sflag:$0x4] =	stream.indirect_vreg.gather [hbm4b:s10+s3], $0x80, v2, vm0, $0xb8;
	[tilespmem:$0x18080] =	vst v63  }
0x1ad: {  	s28 =	simm.s32 $0xF880  }
0x1ae: {  	[tilespmem:s28], [sflag:$0x4] =	stream.indirect_vreg.gather [hbm4b:s11+s3], $0x80, v2, vm0, $0xb8;
	[tilespmem:$0x18080] =	vst v63  }
0x1af: {  	_ =	swait.ge [sflag:s23], $0x4000  }
0x1b0: {  	[sflag:s23] =	ssyncset.done $0x0  }
0x1b1: {  	[sflag:s23] =	ssyncadd.s32 $0xFFFFC000  }
0x1b2: {  	_ =	swait.ge [sflag:s29], $0x4000  }
0x1b3: {  	[sflag:s29] =	ssyncset.done $0x0  }
0x1b4: {  	s15 =	rddreg [dreg:$0xa];
	[sflag:s29] =	ssyncadd.s32 $0xFFFFC000  }
0x1b5: {  	[hbm4b:s15+s3] =	stream.linear.scatter [tilespmem:s31], [sflag:$0x7], $0x8000, $0x38;
	[tilespmem:$0x18080] =	vst v63  }
0x1b6: {  	_ =	swait.ge [sflag:s0], $0x4000  }
0x1b7: {  	[sflag:s0] =	ssyncset.done $0x0  }
0x1b8: {  	[sflag:s0] =	ssyncadd.s32 $0xFFFFC000  }
0x1b9: {  	_ =	swait.ge [sflag:s2], $0x4000  }
0x1ba: {  	[sflag:s2] =	ssyncset.done $0x0  }
0x1bb: {  	s28 =	rddreg [dreg:$0xb];
	[sflag:s2] =	ssyncadd.s32 $0xFFFFC000  }
0x1bc: {  	[hbm4b:s28+s3] =	stream.linear.scatter [tilespmem:s13], [sflag:$0x8], $0x8000, $0x38;
	[tilespmem:$0x18080] =	vst v63  }
0x1bd: {  	_ =	swait.ge [sflag:s16], $0x8000  }
0x1be: {  	[sflag:s16] =	ssyncset.done $0x0  }
0x1bf: {  	[sflag:s16] =	ssyncadd.s32 $0xFFFF8000  }
0x1c0: {  	p0 =	sne.s32 s12, $0x1;
	_ =	swait.ge [sflag:s30], $0x8000  }
.Ltmp0:
0x1c1: {  	[sflag:s30] =	ssyncset.done $0x0;
	(pc) =	sbr.rel @p0 .LBB2_1-.Ltmp0, $4  }
0x1c2: {  	[sflag:s30] =	ssyncadd.s32 $0xFFFF8000  }
0x1c3: {  	_ =	swait.ge [sflag:s4], $0x8000  }
0x1c4: {  	[sflag:s4] =	ssyncset.done $0x0  }
0x1c5: {  	s12 =	sadd.s32 $0xFFFFFFFF, s12;
	[sflag:s4] =	ssyncadd.s32 $0xFFFF8000  }
0x1c6: {  	_ =	sfence.sel $0x180000  }
0x1c7: {  	[bflag:$0x0] =	sbarrier.arrive $0xFFFF  }
0x1c8: {  	_ =	strace $0x90000047  }
0x1c9: {  	s0 =	stileid.u32;
	[bflag:$0x2] =	sbarrier.arrive $0xFFFF  }
0x1ca: {  	p0 =	sne.s32 s0, $0x0;
	s0 =	rddreg [dreg:$0x3]  }
0x1cb: {  	s0 =	sadd.s32 @!p0 $0x100000, s0  }
0x1cc: {  	[sflag:s0] =	ssyncadd.tile.s32 @!p0 $0x1;
	_ =	shalt  }
.Lfunc_end2:
_tile_overlayer_lowered:
.L_overlay_start_2:
0x1cd: {  	(tag) =	ssettag $0x2  }
0x1ce: {  	s0 =	rddreg [dreg:$0x0];
	s2 =	stileid.u32  }
0x1cf: {  	s1 =	rddreg [dreg:$0x1];
	p0 =	sne.s32 s2, $0x0  }
0x1d0: {  	s3 =	rddreg [dreg:$0x2];
	[bflag:$0x3] =	sbarrier.arrive $0xFFFF;
	s2 =	simm.s32 @!p0 $0x1C0A  }
0x1d1: {  	[timem:s3], [sflag:s2] =	dma.local @!p0 [hbm:s0], s1  }
0x1d2: {  	s0 =	simm.s32 @!p0 $0xA  }
0x1d3: {  	_ =	swait.ge @!p0 [sflag:s0], s1  }
0x1d4: {  	s1 =	ssub.s32 @!p0 $0x0, s1;
	[sflag:s0] =	ssyncset.done @!p0 $0x0  }
0x1d5: {  	[sflag:s0] =	ssyncadd.s32 @!p0 s1  }
0x1d6: {  	[bflag:$0x3] =	sbarrier.arrive $0xFFFF  }
0x1d7: {  	_ =	shalt  }

</sc_bundles>
